<compile_context>
chip_gen: v7x
topology: tpu7x:2x2x1
jax: 0.10.2.dev20260603
libtpu: 0.0.44.dev20260713+nightly
codegen_flags: <defaults>
</compile_context>

<pallas_src>
import functools

import jax
import jax.numpy as jnp
from jax import lax
from jax.experimental import pallas as pl
from jax.experimental.pallas import tpu as pltpu
from jax.experimental.pallas import tpu_sc as plsc

N_ENTITY = 100000
EMB = 128
N_NODES = 10000
N_HYPEREDGES = 10000
E_TOTAL = 320000

NC = 2
NS = 16
NW = NC * NS

NB = 10240
DEAD = NB - 1
SLICE = NB // NS

EPT = 20000
NPW = 320


def _sc_body(hei_hbm, ids_hbm, table_hbm, out_hbm,
             nidx, eidx, vals, tmp, tmp2, gidx, rows, cvec, accv,
             a_deg, a_cnt, a_s, a_c, sem, gsem):
    c = lax.axis_index("c")
    s = lax.axis_index("s")
    wid = c * NS + s

    one16 = jnp.full((16,), 1.0, jnp.float32)
    zero16 = jnp.zeros((16,), jnp.float32)

    with jax.named_scope("ph0_stage"):
        cp_n = pltpu.async_copy(hei_hbm.at[pl.ds(s * EPT, EPT)], nidx, sem)
        cp_e = pltpu.async_copy(hei_hbm.at[pl.ds(E_TOTAL + s * EPT, EPT)], eidx, sem)

    with jax.named_scope("ph0_fill"):
        def fill_ones(j, _):
            vals[pl.ds(j * 16, 16)] = one16
            return 0
        lax.fori_loop(0, EPT // 16, fill_ones, 0, unroll=10)

        def fill_zero(k, _):
            tmp[pl.ds(k * 16, 16)] = zero16
            return 0
        lax.fori_loop(0, SLICE // 16, fill_zero, 0, unroll=8)

        sl = pl.ds(s * SLICE, SLICE)
        pltpu.sync_copy(tmp, a_deg.at[sl])
        pltpu.sync_copy(tmp, a_cnt.at[sl])
        pltpu.sync_copy(tmp, a_s.at[sl])
        pltpu.sync_copy(tmp, a_c.at[sl])
        cp_n.wait()
        cp_e.wait()
        plsc.subcore_barrier()

    with jax.named_scope("ph1_hist"):
        cp_d = pltpu.async_copy(vals, a_deg.at[nidx], sem, add=True)
        cp_c = pltpu.async_copy(vals, a_cnt.at[eidx], sem, add=True)
        cp_d.wait()
        plsc.subcore_barrier()

    @pl.when(wid < NW - 1)
    def _():
        pltpu.sync_copy(ids_hbm.at[pl.ds(wid * NPW, NPW)], gidx)

    @pl.when(wid == NW - 1)
    def _():
        zero16i = jnp.zeros((16,), jnp.int32)

        def fill_pad(j, _):
            gidx[pl.ds(j * 16, 16)] = zero16i
            return 0
        lax.fori_loop(N_NODES // 16 - (NW - 1) * (NPW // 16), NPW // 16,
                      fill_pad, 0)
        pltpu.sync_copy(ids_hbm.at[pl.ds((NW - 1) * NPW, N_NODES - (NW - 1) * NPW)],
                        gidx.at[pl.ds(0, N_NODES - (NW - 1) * NPW)])
    rows_cp = pltpu.async_copy(table_hbm.at[gidx], rows, gsem)

    with jax.named_scope("ph2_inv"):
        pltpu.sync_copy(a_deg.at[sl], tmp)

        def inv_row(k, _):
            d = tmp[pl.ds(k * 16, 16)]
            tmp[pl.ds(k * 16, 16)] = 1.0 / jnp.maximum(d, 1.0)
            return 0
        lax.fori_loop(0, SLICE // 16, inv_row, 0)
        pltpu.sync_copy(tmp, a_deg.at[sl])
        plsc.subcore_barrier()

    with jax.named_scope("ph3_gsc"):
        cp_c.wait()
        pltpu.sync_copy(a_deg.at[nidx], vals)
        pltpu.sync_copy(vals, a_s.at[eidx], add=True)
        plsc.subcore_barrier()

    with jax.named_scope("ph4_w"):
        pltpu.sync_copy(a_s.at[sl], tmp)
        pltpu.sync_copy(a_cnt.at[sl], tmp2)

        def w_row(k, _):
            sv = tmp[pl.ds(k * 16, 16)]
            cv = tmp2[pl.ds(k * 16, 16)]
            tmp[pl.ds(k * 16, 16)] = sv / jnp.maximum(cv, 1.0)
            return 0
        lax.fori_loop(0, SLICE // 16, w_row, 0)
        pltpu.sync_copy(tmp, a_s.at[sl])
        plsc.subcore_barrier()

    with jax.named_scope("ph5_gsc"):
        pltpu.sync_copy(a_s.at[eidx], vals)
        pltpu.sync_copy(vals, a_c.at[nidx], add=True)
        plsc.subcore_barrier()

    with jax.named_scope("ph6_cvec"):
        pltpu.sync_copy(a_c.at[pl.ds(wid * NPW, NPW)], cvec)
        rows_cp.wait()

    def grp_fma(m, accs):
        cw = cvec[pl.ds(m * 16, 16)]
        for r in range(16):
            cb = jnp.full((16,), cw[r], jnp.float32)
            i = m * 16 + r
            accs = tuple(accs[kk] + cb * rows[i, pl.ds(kk * 16, 16)]
                         for kk in range(8))
        return accs
    with jax.named_scope("ph6_fma"):
        accs = lax.fori_loop(0, NPW // 16, grp_fma,
                             tuple(zero16 for _ in range(8)))
        for kk in range(8):
            accv[pl.ds(kk * 16, 16)] = accs[kk]

        pltpu.sync_copy(accv, out_hbm.at[wid])


@functools.cache
def _sc_compute():
  return functools.partial(
    pl.kernel,
    out_type=jax.ShapeDtypeStruct((NW, EMB), jnp.float32),
    mesh=plsc.VectorSubcoreMesh(core_axis_name="c", subcore_axis_name="s",
                                num_cores=NC, num_subcores=NS),
    scratch_types=[
        pltpu.VMEM((EPT,), jnp.int32),
        pltpu.VMEM((EPT,), jnp.int32),
        pltpu.VMEM((EPT,), jnp.float32),
        pltpu.VMEM((SLICE,), jnp.float32),
        pltpu.VMEM((SLICE,), jnp.float32),
        pltpu.VMEM((NPW,), jnp.int32),
        pltpu.VMEM((NPW, EMB), jnp.float32),
        pltpu.VMEM((NPW,), jnp.float32),
        pltpu.VMEM((EMB,), jnp.float32),
        pltpu.VMEM_SHARED((NB,), jnp.float32),
        pltpu.VMEM_SHARED((NB,), jnp.float32),
        pltpu.VMEM_SHARED((NB,), jnp.float32),
        pltpu.VMEM_SHARED((NB,), jnp.float32),
        pltpu.SemaphoreType.DMA,
        pltpu.SemaphoreType.DMA,
    ],
  )(_sc_body)


ROWS_BLK = 10000
N_BLKS = N_ENTITY // ROWS_BLK


def _tc_body(pv_ref, th_ref, cb_ref, tb_ref, bb_ref, o_ref, u_ref):
    @pl.when(pl.program_id(0) == 0)
    def _():
        v = jnp.sum(pv_ref[...], axis=0, keepdims=True)
        u = jnp.dot(v, th_ref[...], preferred_element_type=jnp.float32)
        u_ref[...] = u * (1.0 / N_NODES) + cb_ref[...][None, :]
    s2 = jax.lax.dot_general(u_ref[...], tb_ref[...],
                             (((1,), (1,)), ((), ())),
                             preferred_element_type=jnp.float32)
    o_ref[...] = s2[None] + bb_ref[...]


_tc_scores = pl.pallas_call(
    _tc_body,
    grid=(N_BLKS,),
    in_specs=[
        pl.BlockSpec((NW, EMB), lambda i: (0, 0)),
        pl.BlockSpec((EMB, EMB), lambda i: (0, 0)),
        pl.BlockSpec((EMB,), lambda i: (0,)),
        pl.BlockSpec((ROWS_BLK, EMB), lambda i: (i, 0)),
        pl.BlockSpec((1, 1, ROWS_BLK), lambda i: (i, 0, 0)),
    ],
    out_specs=pl.BlockSpec((1, 1, ROWS_BLK), lambda i: (i, 0, 0)),
    out_shape=jax.ShapeDtypeStruct((N_BLKS, 1, ROWS_BLK), jnp.float32),
    scratch_shapes=[pltpu.VMEM((1, EMB), jnp.float32)],
)


def kernel(node_ids, hyper_edge_index, entity_table, theta, conv_bias, rec_bias_b):
    hei_flat = hyper_edge_index.astype(jnp.int32).reshape(2 * E_TOTAL)
    partials = _sc_compute()(hei_flat, node_ids.astype(jnp.int32),
                             entity_table)
    bb2 = rec_bias_b.reshape(N_BLKS, 1, ROWS_BLK)
    scores2 = _tc_scores(partials, theta, conv_bias, entity_table, bb2)
    return scores2.reshape(N_ENTITY)

# --- scband reference (transcript-rebuilt; emitter-appended) ---
"""Pipeline reference for scband-mhimmodel-23398981829298 (READ-ONLY COPY).

The authoritative reference and input builder live on the scoring server;
editing this copy changes nothing except your own understanding.
"""

import jax, jax.numpy as jnp
import numpy as np

N_ENTITY = 100000
EMB = 128
N_NODES = 10000
N_HYPEREDGES = 10000
E = 320000


def setup_inputs(seed: int = 0) -> dict:
    key = jax.random.key(seed)
    ks = jax.random.split(key, 6)
    node_ids = jax.random.randint(ks[0], (N_NODES,), 0, N_ENTITY, dtype=jnp.int64 if jax.config.jax_enable_x64 else jnp.int32)
    hyper_edge_index = jax.random.randint(ks[1], (2, E), 0, N_NODES, dtype=jnp.int64 if jax.config.jax_enable_x64 else jnp.int32)
    entity_table = jax.random.normal(ks[2], (N_ENTITY, EMB), dtype=jnp.float32) * (EMB ** -0.5)
    entity_table = entity_table.at[0].set(0.0)  # padding_idx=0
    theta = jax.random.normal(ks[3], (EMB, EMB), dtype=jnp.float32) * (EMB ** -0.5)
    conv_bias = jnp.zeros((EMB,), dtype=jnp.float32)
    rec_bias_b = jnp.zeros((N_ENTITY,), dtype=jnp.float32)
    return {
        'node_ids': node_ids,
        'hyper_edge_index': hyper_edge_index,
        'entity_table': entity_table,
        'theta': theta,
        'conv_bias': conv_bias,
        'rec_bias_b': rec_bias_b,
    }


def reference(node_ids, hyper_edge_index, entity_table, theta, conv_bias, rec_bias_b):
    # 1) entity embedding lookup for hypergraph nodes (torch.nn.Embedding gather)
    x = jnp.take(entity_table, node_ids, axis=0)  # [N_NODES, EMB]
    # 2) HypergraphConv: out = D^-1 H B^-1 H^T (X @ Theta) + bias
    xt = x @ theta  # [N_NODES, EMB]
    nodes = hyper_edge_index[0]
    edges = hyper_edge_index[1]
    ones = jnp.ones((nodes.shape[0],), dtype=jnp.float32)
    # hyperedge aggregation: B^-1 H^T Xt (mean of member-node features per hyperedge)
    edge_sum = jax.ops.segment_sum(xt[nodes], edges, num_segments=N_HYPEREDGES)
    edge_cnt = jax.ops.segment_sum(ones, edges, num_segments=N_HYPEREDGES)
    edge_mean = edge_sum / jnp.clip(edge_cnt, 1.0)[:, None]
    # node aggregation: D^-1 H edge_mean
    node_sum = jax.ops.segment_sum(edge_mean[edges], nodes, num_segments=N_NODES)
    deg = jax.ops.segment_sum(ones, nodes, num_segments=N_NODES)
    out = node_sum / jnp.clip(deg, 1.0)[:, None] + conv_bias  # [N_NODES, EMB]
    # 3) pooling == 'Mean', context_embedding is None -> user_repr = mean over related embeddings
    user_repr = jnp.mean(out, axis=0)  # [EMB]
    # 4) recommendation scores: F.linear(user_repr, entity_embedding.weight, rec_bias.bias)
    scores = entity_table @ user_repr + rec_bias_b  # [N_ENTITY]
    return scores

if __name__ == "__main__":
    import jax
    _d = setup_inputs()
    print(jax.jit(kernel)(*tuple(_d.values())))

</pallas_src>

<mosaic_0001>
#map = affine_map<(d0, d1) -> (0)>
#map1 = affine_map<(d0, d1) -> (0, 0)>
module attributes {stable_mosaic.version = 14 : i64} {
  func.func @_sc_body(%arg0: i32, %arg1: i32, %arg2: memref<640000xi32, #tpu.memory_space<hbm>>, %arg3: memref<10000xi32, #tpu.memory_space<hbm>>, %arg4: memref<100000x128xf32, #tpu.memory_space<hbm>>, %arg5: memref<32x128xf32, #tpu.memory_space<hbm>>, %arg6: memref<20000xi32, #tpu.memory_space<vmem>>, %arg7: memref<20000xi32, #tpu.memory_space<vmem>>, %arg8: memref<20000xf32, #tpu.memory_space<vmem>>, %arg9: memref<640xf32, #tpu.memory_space<vmem>>, %arg10: memref<640xf32, #tpu.memory_space<vmem>>, %arg11: memref<320xi32, #tpu.memory_space<vmem>>, %arg12: memref<320x128xf32, #tpu.memory_space<vmem>>, %arg13: memref<320xf32, #tpu.memory_space<vmem>>, %arg14: memref<128xf32, #tpu.memory_space<vmem>>, %arg15: memref<10240xf32, #tpu.memory_space<vmem_shared>>, %arg16: memref<10240xf32, #tpu.memory_space<vmem_shared>>, %arg17: memref<10240xf32, #tpu.memory_space<vmem_shared>>, %arg18: memref<10240xf32, #tpu.memory_space<vmem_shared>>, %arg19: memref<!tpu.dma_semaphore, #tpu.memory_space<semaphore_mem>>, %arg20: memref<!tpu.dma_semaphore, #tpu.memory_space<semaphore_mem>>) attributes {dimension_semantics = [#tpu.dimension_semantics<core_parallel>, #tpu.dimension_semantics<subcore_parallel>], iteration_bounds = array<i64: 2, 16>, scalar_prefetch = 0 : i64, scratch_operands = 15 : i64, tpu.core_type = #tpu.core_type<sc_vector_subcore>, window_params = [{transform_indices = #map}, {transform_indices = #map}, {transform_indices = #map1}, {transform_indices = #map1}]} {
    %mul3A = arith.constant 16 : i32
    %mul3A_0 = arith.muli %arg0, %mul3A : i32
    %add3A = arith.addi %mul3A_0, %arg1 : i32
    %broadcast_in_dim3A = arith.constant 1.000000e+00 : f32
    %broadcast_in_dim3A_1 = vector.broadcast %broadcast_in_dim3A : f32 to vector<16xf32>
    %broadcast_in_dim3A_2 = arith.constant 0.000000e+00 : f32
    %broadcast_in_dim3A_3 = vector.broadcast %broadcast_in_dim3A_2 : f32 to vector<16xf32>
    "tpu.trace_start"() <{level = 10 : i32, message = "ph0_stage"}> : () -> ()
    %mul3A_4 = arith.constant 20000 : i32
    %mul3A_5 = arith.muli %arg1, %mul3A_4 : i32
    %dma_start3A = tpu.memref_slice %arg2[%mul3A_5] : memref<640000xi32, #tpu.memory_space<hbm>> -> memref<20000xi32, #tpu.memory_space<hbm>>
    %dma_start3A_6 = tpu.memref_slice %arg2[%mul3A_5] : memref<640000xi32, #tpu.memory_space<hbm>> -> memref<20000xi32, #tpu.memory_space<hbm>>
    tpu.enqueue_dma source(%dma_start3A_6 : memref<20000xi32, #tpu.memory_space<hbm>>) target(%arg6 : memref<20000xi32, #tpu.memory_space<vmem>>) target_semaphore(%arg19 : memref<!tpu.dma_semaphore, #tpu.memory_space<semaphore_mem>>)
    %mul3A_7 = arith.constant 20000 : i32
    %mul3A_8 = arith.muli %arg1, %mul3A_7 : i32
    %add3A_9 = arith.constant 320000 : i32
    %add3A_10 = arith.addi %add3A_9, %mul3A_8 : i32
    %dma_start3A_11 = tpu.memref_slice %arg2[%add3A_10] : memref<640000xi32, #tpu.memory_space<hbm>> -> memref<20000xi32, #tpu.memory_space<hbm>>
    %dma_start3A_12 = tpu.memref_slice %arg2[%add3A_10] : memref<640000xi32, #tpu.memory_space<hbm>> -> memref<20000xi32, #tpu.memory_space<hbm>>
    tpu.enqueue_dma source(%dma_start3A_12 : memref<20000xi32, #tpu.memory_space<hbm>>) target(%arg7 : memref<20000xi32, #tpu.memory_space<vmem>>) target_semaphore(%arg19 : memref<!tpu.dma_semaphore, #tpu.memory_space<semaphore_mem>>)
    "tpu.trace_stop"() : () -> ()
    "tpu.trace_start"() <{level = 10 : i32, message = "ph0_fill"}> : () -> ()
    %scan3A = arith.constant 0 : i32
    %scan3A_13 = arith.constant 0 : i32
    %scan3A_14 = arith.constant 1250 : i32
    %scan3A_15 = arith.addi %scan3A_13, %scan3A_14 : i32
    %scan3A_16 = arith.constant 10 : i32
    %scan3A_17 = scf.for %scan3A_109 = %scan3A_13 to %scan3A_15 step %scan3A_16 iter_args(%scan3A_110 = %scan3A) -> (i32)  : i32 {
      %mul3A_111 = arith.constant 16 : i32
      %mul3A_112 = arith.muli %scan3A_109, %mul3A_111 : i32
      %swap3A_113 = arith.index_cast %mul3A_112 : i32 to index
      %swap3A_114 = tpu.vector_load %arg8[%swap3A_113] {strides = array<i32>} : memref<20000xf32, #tpu.memory_space<vmem>>, vector<16xf32>,
      %swap3A_115 = vector.shape_cast %swap3A_114 : vector<16xf32> to vector<16xf32>
      %swap3A_116 = vector.shape_cast %broadcast_in_dim3A_1 : vector<16xf32> to vector<16xf32>
      tpu.vector_store %arg8[%swap3A_113], %swap3A_116 {strides = array<i32>} : memref<20000xf32, #tpu.memory_space<vmem>>, vector<16xf32>,
      %scan3A_117 = arith.constant 0 : i32
      %scan3A_118 = arith.constant 1 : i32
      %scan3A_119 = arith.addi %scan3A_109, %scan3A_118 : i32
      %mul3A_120 = arith.constant 16 : i32
      %mul3A_121 = arith.muli %scan3A_119, %mul3A_120 : i32
      %swap3A_122 = arith.index_cast %mul3A_121 : i32 to index
      %swap3A_123 = tpu.vector_load %arg8[%swap3A_122] {strides = array<i32>} : memref<20000xf32, #tpu.memory_space<vmem>>, vector<16xf32>,
      %swap3A_124 = vector.shape_cast %swap3A_123 : vector<16xf32> to vector<16xf32>
      %swap3A_125 = vector.shape_cast %broadcast_in_dim3A_1 : vector<16xf32> to vector<16xf32>
      tpu.vector_store %arg8[%swap3A_122], %swap3A_125 {strides = array<i32>} : memref<20000xf32, #tpu.memory_space<vmem>>, vector<16xf32>,
      %scan3A_126 = arith.constant 0 : i32
      %scan3A_127 = arith.constant 2 : i32
      %scan3A_128 = arith.addi %scan3A_109, %scan3A_127 : i32
      %mul3A_129 = arith.constant 16 : i32
      %mul3A_130 = arith.muli %scan3A_128, %mul3A_129 : i32
      %swap3A_131 = arith.index_cast %mul3A_130 : i32 to index
      %swap3A_132 = tpu.vector_load %arg8[%swap3A_131] {strides = array<i32>} : memref<20000xf32, #tpu.memory_space<vmem>>, vector<16xf32>,
      %swap3A_133 = vector.shape_cast %swap3A_132 : vector<16xf32> to vector<16xf32>
      %swap3A_134 = vector.shape_cast %broadcast_in_dim3A_1 : vector<16xf32> to vector<16xf32>
      tpu.vector_store %arg8[%swap3A_131], %swap3A_134 {strides = array<i32>} : memref<20000xf32, #tpu.memory_space<vmem>>, vector<16xf32>,
      %scan3A_135 = arith.constant 0 : i32
      %scan3A_136 = arith.constant 3 : i32
      %scan3A_137 = arith.addi %scan3A_109, %scan3A_136 : i32
      %mul3A_138 = arith.constant 16 : i32
      %mul3A_139 = arith.muli %scan3A_137, %mul3A_138 : i32
      %swap3A_140 = arith.index_cast %mul3A_139 : i32 to index
      %swap3A_141 = tpu.vector_load %arg8[%swap3A_140] {strides = array<i32>} : memref<20000xf32, #tpu.memory_space<vmem>>, vector<16xf32>,
      %swap3A_142 = vector.shape_cast %swap3A_141 : vector<16xf32> to vector<16xf32>
      %swap3A_143 = vector.shape_cast %broadcast_in_dim3A_1 : vector<16xf32> to vector<16xf32>
      tpu.vector_store %arg8[%swap3A_140], %swap3A_143 {strides = array<i32>} : memref<20000xf32, #tpu.memory_space<vmem>>, vector<16xf32>,
      %scan3A_144 = arith.constant 0 : i32
      %scan3A_145 = arith.constant 4 : i32
      %scan3A_146 = arith.addi %scan3A_109, %scan3A_145 : i32
      %mul3A_147 = arith.constant 16 : i32
      %mul3A_148 = arith.muli %scan3A_146, %mul3A_147 : i32
      %swap3A_149 = arith.index_cast %mul3A_148 : i32 to index
      %swap3A_150 = tpu.vector_load %arg8[%swap3A_149] {strides = array<i32>} : memref<20000xf32, #tpu.memory_space<vmem>>, vector<16xf32>,
      %swap3A_151 = vector.shape_cast %swap3A_150 : vector<16xf32> to vector<16xf32>
      %swap3A_152 = vector.shape_cast %broadcast_in_dim3A_1 : vector<16xf32> to vector<16xf32>
      tpu.vector_store %arg8[%swap3A_149], %swap3A_152 {strides = array<i32>} : memref<20000xf32, #tpu.memory_space<vmem>>, vector<16xf32>,
      %scan3A_153 = arith.constant 0 : i32
      %scan3A_154 = arith.constant 5 : i32
      %scan3A_155 = arith.addi %scan3A_109, %scan3A_154 : i32
      %mul3A_156 = arith.constant 16 : i32
      %mul3A_157 = arith.muli %scan3A_155, %mul3A_156 : i32
      %swap3A_158 = arith.index_cast %mul3A_157 : i32 to index
      %swap3A_159 = tpu.vector_load %arg8[%swap3A_158] {strides = array<i32>} : memref<20000xf32, #tpu.memory_space<vmem>>, vector<16xf32>,
      %swap3A_160 = vector.shape_cast %swap3A_159 : vector<16xf32> to vector<16xf32>
      %swap3A_161 = vector.shape_cast %broadcast_in_dim3A_1 : vector<16xf32> to vector<16xf32>
      tpu.vector_store %arg8[%swap3A_158], %swap3A_161 {strides = array<i32>} : memref<20000xf32, #tpu.memory_space<vmem>>, vector<16xf32>,
      %scan3A_162 = arith.constant 0 : i32
      %scan3A_163 = arith.constant 6 : i32
      %scan3A_164 = arith.addi %scan3A_109, %scan3A_163 : i32
      %mul3A_165 = arith.constant 16 : i32
      %mul3A_166 = arith.muli %scan3A_164, %mul3A_165 : i32
      %swap3A_167 = arith.index_cast %mul3A_166 : i32 to index
      %swap3A_168 = tpu.vector_load %arg8[%swap3A_167] {strides = array<i32>} : memref<20000xf32, #tpu.memory_space<vmem>>, vector<16xf32>,
      %swap3A_169 = vector.shape_cast %swap3A_168 : vector<16xf32> to vector<16xf32>
      %swap3A_170 = vector.shape_cast %broadcast_in_dim3A_1 : vector<16xf32> to vector<16xf32>
      tpu.vector_store %arg8[%swap3A_167], %swap3A_170 {strides = array<i32>} : memref<20000xf32, #tpu.memory_space<vmem>>, vector<16xf32>,
      %scan3A_171 = arith.constant 0 : i32
      %scan3A_172 = arith.constant 7 : i32
      %scan3A_173 = arith.addi %scan3A_109, %scan3A_172 : i32
      %mul3A_174 = arith.constant 16 : i32
      %mul3A_175 = arith.muli %scan3A_173, %mul3A_174 : i32
      %swap3A_176 = arith.index_cast %mul3A_175 : i32 to index
      %swap3A_177 = tpu.vector_load %arg8[%swap3A_176] {strides = array<i32>} : memref<20000xf32, #tpu.memory_space<vmem>>, vector<16xf32>,
      %swap3A_178 = vector.shape_cast %swap3A_177 : vector<16xf32> to vector<16xf32>
      %swap3A_179 = vector.shape_cast %broadcast_in_dim3A_1 : vector<16xf32> to vector<16xf32>
      tpu.vector_store %arg8[%swap3A_176], %swap3A_179 {strides = array<i32>} : memref<20000xf32, #tpu.memory_space<vmem>>, vector<16xf32>,
      %scan3A_180 = arith.constant 0 : i32
      %scan3A_181 = arith.constant 8 : i32
      %scan3A_182 = arith.addi %scan3A_109, %scan3A_181 : i32
      %mul3A_183 = arith.constant 16 : i32
      %mul3A_184 = arith.muli %scan3A_182, %mul3A_183 : i32
      %swap3A_185 = arith.index_cast %mul3A_184 : i32 to index
      %swap3A_186 = tpu.vector_load %arg8[%swap3A_185] {strides = array<i32>} : memref<20000xf32, #tpu.memory_space<vmem>>, vector<16xf32>,
      %swap3A_187 = vector.shape_cast %swap3A_186 : vector<16xf32> to vector<16xf32>
      %swap3A_188 = vector.shape_cast %broadcast_in_dim3A_1 : vector<16xf32> to vector<16xf32>
      tpu.vector_store %arg8[%swap3A_185], %swap3A_188 {strides = array<i32>} : memref<20000xf32, #tpu.memory_space<vmem>>, vector<16xf32>,
      %scan3A_189 = arith.constant 0 : i32
      %scan3A_190 = arith.constant 9 : i32
      %scan3A_191 = arith.addi %scan3A_109, %scan3A_190 : i32
      %mul3A_192 = arith.constant 16 : i32
      %mul3A_193 = arith.muli %scan3A_191, %mul3A_192 : i32
      %swap3A_194 = arith.index_cast %mul3A_193 : i32 to index
      %swap3A_195 = tpu.vector_load %arg8[%swap3A_194] {strides = array<i32>} : memref<20000xf32, #tpu.memory_space<vmem>>, vector<16xf32>,
      %swap3A_196 = vector.shape_cast %swap3A_195 : vector<16xf32> to vector<16xf32>
      %swap3A_197 = vector.shape_cast %broadcast_in_dim3A_1 : vector<16xf32> to vector<16xf32>
      tpu.vector_store %arg8[%swap3A_194], %swap3A_197 {strides = array<i32>} : memref<20000xf32, #tpu.memory_space<vmem>>, vector<16xf32>,
      %scan3A_198 = arith.constant 0 : i32
      scf.yield %scan3A_198 : i32
    }
    %scan3A_18 = arith.constant 1250 : i32
    %scan3A_19 = arith.constant 0 : i32
    %scan3A_20 = arith.constant 0 : i32
    %scan3A_21 = arith.constant 40 : i32
    %scan3A_22 = arith.addi %scan3A_20, %scan3A_21 : i32
    %scan3A_23 = arith.constant 8 : i32
    %scan3A_24 = scf.for %scan3A_109 = %scan3A_20 to %scan3A_22 step %scan3A_23 iter_args(%scan3A_110 = %scan3A_19) -> (i32)  : i32 {
      %mul3A_111 = arith.constant 16 : i32
      %mul3A_112 = arith.muli %scan3A_109, %mul3A_111 : i32
      %swap3A_113 = arith.index_cast %mul3A_112 : i32 to index
      %swap3A_114 = tpu.vector_load %arg9[%swap3A_113] {strides = array<i32>} : memref<640xf32, #tpu.memory_space<vmem>>, vector<16xf32>,
      %swap3A_115 = vector.shape_cast %swap3A_114 : vector<16xf32> to vector<16xf32>
      %swap3A_116 = vector.shape_cast %broadcast_in_dim3A_3 : vector<16xf32> to vector<16xf32>
      tpu.vector_store %arg9[%swap3A_113], %swap3A_116 {strides = array<i32>} : memref<640xf32, #tpu.memory_space<vmem>>, vector<16xf32>,
      %scan3A_117 = arith.constant 0 : i32
      %scan3A_118 = arith.constant 1 : i32
      %scan3A_119 = arith.addi %scan3A_109, %scan3A_118 : i32
      %mul3A_120 = arith.constant 16 : i32
      %mul3A_121 = arith.muli %scan3A_119, %mul3A_120 : i32
      %swap3A_122 = arith.index_cast %mul3A_121 : i32 to index
      %swap3A_123 = tpu.vector_load %arg9[%swap3A_122] {strides = array<i32>} : memref<640xf32, #tpu.memory_space<vmem>>, vector<16xf32>,
      %swap3A_124 = vector.shape_cast %swap3A_123 : vector<16xf32> to vector<16xf32>
      %swap3A_125 = vector.shape_cast %broadcast_in_dim3A_3 : vector<16xf32> to vector<16xf32>
      tpu.vector_store %arg9[%swap3A_122], %swap3A_125 {strides = array<i32>} : memref<640xf32, #tpu.memory_space<vmem>>, vector<16xf32>,
      %scan3A_126 = arith.constant 0 : i32
      %scan3A_127 = arith.constant 2 : i32
      %scan3A_128 = arith.addi %scan3A_109, %scan3A_127 : i32
      %mul3A_129 = arith.constant 16 : i32
      %mul3A_130 = arith.muli %scan3A_128, %mul3A_129 : i32
      %swap3A_131 = arith.index_cast %mul3A_130 : i32 to index
      %swap3A_132 = tpu.vector_load %arg9[%swap3A_131] {strides = array<i32>} : memref<640xf32, #tpu.memory_space<vmem>>, vector<16xf32>,
      %swap3A_133 = vector.shape_cast %swap3A_132 : vector<16xf32> to vector<16xf32>
      %swap3A_134 = vector.shape_cast %broadcast_in_dim3A_3 : vector<16xf32> to vector<16xf32>
      tpu.vector_store %arg9[%swap3A_131], %swap3A_134 {strides = array<i32>} : memref<640xf32, #tpu.memory_space<vmem>>, vector<16xf32>,
      %scan3A_135 = arith.constant 0 : i32
      %scan3A_136 = arith.constant 3 : i32
      %scan3A_137 = arith.addi %scan3A_109, %scan3A_136 : i32
      %mul3A_138 = arith.constant 16 : i32
      %mul3A_139 = arith.muli %scan3A_137, %mul3A_138 : i32
      %swap3A_140 = arith.index_cast %mul3A_139 : i32 to index
      %swap3A_141 = tpu.vector_load %arg9[%swap3A_140] {strides = array<i32>} : memref<640xf32, #tpu.memory_space<vmem>>, vector<16xf32>,
      %swap3A_142 = vector.shape_cast %swap3A_141 : vector<16xf32> to vector<16xf32>
      %swap3A_143 = vector.shape_cast %broadcast_in_dim3A_3 : vector<16xf32> to vector<16xf32>
      tpu.vector_store %arg9[%swap3A_140], %swap3A_143 {strides = array<i32>} : memref<640xf32, #tpu.memory_space<vmem>>, vector<16xf32>,
      %scan3A_144 = arith.constant 0 : i32
      %scan3A_145 = arith.constant 4 : i32
      %scan3A_146 = arith.addi %scan3A_109, %scan3A_145 : i32
      %mul3A_147 = arith.constant 16 : i32
      %mul3A_148 = arith.muli %scan3A_146, %mul3A_147 : i32
      %swap3A_149 = arith.index_cast %mul3A_148 : i32 to index
      %swap3A_150 = tpu.vector_load %arg9[%swap3A_149] {strides = array<i32>} : memref<640xf32, #tpu.memory_space<vmem>>, vector<16xf32>,
      %swap3A_151 = vector.shape_cast %swap3A_150 : vector<16xf32> to vector<16xf32>
      %swap3A_152 = vector.shape_cast %broadcast_in_dim3A_3 : vector<16xf32> to vector<16xf32>
      tpu.vector_store %arg9[%swap3A_149], %swap3A_152 {strides = array<i32>} : memref<640xf32, #tpu.memory_space<vmem>>, vector<16xf32>,
      %scan3A_153 = arith.constant 0 : i32
      %scan3A_154 = arith.constant 5 : i32
      %scan3A_155 = arith.addi %scan3A_109, %scan3A_154 : i32
      %mul3A_156 = arith.constant 16 : i32
      %mul3A_157 = arith.muli %scan3A_155, %mul3A_156 : i32
      %swap3A_158 = arith.index_cast %mul3A_157 : i32 to index
      %swap3A_159 = tpu.vector_load %arg9[%swap3A_158] {strides = array<i32>} : memref<640xf32, #tpu.memory_space<vmem>>, vector<16xf32>,
      %swap3A_160 = vector.shape_cast %swap3A_159 : vector<16xf32> to vector<16xf32>
      %swap3A_161 = vector.shape_cast %broadcast_in_dim3A_3 : vector<16xf32> to vector<16xf32>
      tpu.vector_store %arg9[%swap3A_158], %swap3A_161 {strides = array<i32>} : memref<640xf32, #tpu.memory_space<vmem>>, vector<16xf32>,
      %scan3A_162 = arith.constant 0 : i32
      %scan3A_163 = arith.constant 6 : i32
      %scan3A_164 = arith.addi %scan3A_109, %scan3A_163 : i32
      %mul3A_165 = arith.constant 16 : i32
      %mul3A_166 = arith.muli %scan3A_164, %mul3A_165 : i32
      %swap3A_167 = arith.index_cast %mul3A_166 : i32 to index
      %swap3A_168 = tpu.vector_load %arg9[%swap3A_167] {strides = array<i32>} : memref<640xf32, #tpu.memory_space<vmem>>, vector<16xf32>,
      %swap3A_169 = vector.shape_cast %swap3A_168 : vector<16xf32> to vector<16xf32>
      %swap3A_170 = vector.shape_cast %broadcast_in_dim3A_3 : vector<16xf32> to vector<16xf32>
      tpu.vector_store %arg9[%swap3A_167], %swap3A_170 {strides = array<i32>} : memref<640xf32, #tpu.memory_space<vmem>>, vector<16xf32>,
      %scan3A_171 = arith.constant 0 : i32
      %scan3A_172 = arith.constant 7 : i32
      %scan3A_173 = arith.addi %scan3A_109, %scan3A_172 : i32
      %mul3A_174 = arith.constant 16 : i32
      %mul3A_175 = arith.muli %scan3A_173, %mul3A_174 : i32
      %swap3A_176 = arith.index_cast %mul3A_175 : i32 to index
      %swap3A_177 = tpu.vector_load %arg9[%swap3A_176] {strides = array<i32>} : memref<640xf32, #tpu.memory_space<vmem>>, vector<16xf32>,
      %swap3A_178 = vector.shape_cast %swap3A_177 : vector<16xf32> to vector<16xf32>
      %swap3A_179 = vector.shape_cast %broadcast_in_dim3A_3 : vector<16xf32> to vector<16xf32>
      tpu.vector_store %arg9[%swap3A_176], %swap3A_179 {strides = array<i32>} : memref<640xf32, #tpu.memory_space<vmem>>, vector<16xf32>,
      %scan3A_180 = arith.constant 0 : i32
      scf.yield %scan3A_180 : i32
    }
    %scan3A_25 = arith.constant 40 : i32
    %mul3A_26 = arith.constant 640 : i32
    %mul3A_27 = arith.muli %arg1, %mul3A_26 : i32
    "tpu.region"() ({
      %run_scoped3A = tpu.sem_alloc : memref<!tpu.dma_semaphore, #tpu.memory_space<semaphore_mem>>
      %dma_start3A_109 = tpu.memref_slice %arg15[%mul3A_27] : memref<10240xf32, #tpu.memory_space<vmem_shared>> -> memref<640xf32, #tpu.memory_space<vmem_shared>>
      %dma_start3A_110 = tpu.memref_slice %arg15[%mul3A_27] : memref<10240xf32, #tpu.memory_space<vmem_shared>> -> memref<640xf32, #tpu.memory_space<vmem_shared>>
      tpu.enqueue_dma source(%arg9 : memref<640xf32, #tpu.memory_space<vmem>>) target(%dma_start3A_110 : memref<640xf32, #tpu.memory_space<vmem_shared>>) target_semaphore(%run_scoped3A : memref<!tpu.dma_semaphore, #tpu.memory_space<semaphore_mem>>)
      %dma_wait3A_111 = tpu.memref_slice %arg15[%mul3A_27] : memref<10240xf32, #tpu.memory_space<vmem_shared>> -> memref<640xf32, #tpu.memory_space<vmem_shared>>
      %dma_wait3A_112 = tpu.memref_slice %arg15[%mul3A_27] : memref<10240xf32, #tpu.memory_space<vmem_shared>> -> memref<640xf32, #tpu.memory_space<vmem_shared>>
      tpu.wait_dma2 semaphore(%run_scoped3A : memref<!tpu.dma_semaphore, #tpu.memory_space<semaphore_mem>>) src(%arg9 : memref<640xf32, #tpu.memory_space<vmem>>) dst(%dma_wait3A_112 : memref<640xf32, #tpu.memory_space<vmem_shared>>)
      tpu.yield
    }) : () -> ()
    "tpu.region"() ({
      %run_scoped3A = tpu.sem_alloc : memref<!tpu.dma_semaphore, #tpu.memory_space<semaphore_mem>>
      %dma_start3A_109 = tpu.memref_slice %arg16[%mul3A_27] : memref<10240xf32, #tpu.memory_space<vmem_shared>> -> memref<640xf32, #tpu.memory_space<vmem_shared>>
      %dma_start3A_110 = tpu.memref_slice %arg16[%mul3A_27] : memref<10240xf32, #tpu.memory_space<vmem_shared>> -> memref<640xf32, #tpu.memory_space<vmem_shared>>
      tpu.enqueue_dma source(%arg9 : memref<640xf32, #tpu.memory_space<vmem>>) target(%dma_start3A_110 : memref<640xf32, #tpu.memory_space<vmem_shared>>) target_semaphore(%run_scoped3A : memref<!tpu.dma_semaphore, #tpu.memory_space<semaphore_mem>>)
      %dma_wait3A_111 = tpu.memref_slice %arg16[%mul3A_27] : memref<10240xf32, #tpu.memory_space<vmem_shared>> -> memref<640xf32, #tpu.memory_space<vmem_shared>>
      %dma_wait3A_112 = tpu.memref_slice %arg16[%mul3A_27] : memref<10240xf32, #tpu.memory_space<vmem_shared>> -> memref<640xf32, #tpu.memory_space<vmem_shared>>
      tpu.wait_dma2 semaphore(%run_scoped3A : memref<!tpu.dma_semaphore, #tpu.memory_space<semaphore_mem>>) src(%arg9 : memref<640xf32, #tpu.memory_space<vmem>>) dst(%dma_wait3A_112 : memref<640xf32, #tpu.memory_space<vmem_shared>>)
      tpu.yield
    }) : () -> ()
    "tpu.region"() ({
      %run_scoped3A = tpu.sem_alloc : memref<!tpu.dma_semaphore, #tpu.memory_space<semaphore_mem>>
      %dma_start3A_109 = tpu.memref_slice %arg17[%mul3A_27] : memref<10240xf32, #tpu.memory_space<vmem_shared>> -> memref<640xf32, #tpu.memory_space<vmem_shared>>
      %dma_start3A_110 = tpu.memref_slice %arg17[%mul3A_27] : memref<10240xf32, #tpu.memory_space<vmem_shared>> -> memref<640xf32, #tpu.memory_space<vmem_shared>>
      tpu.enqueue_dma source(%arg9 : memref<640xf32, #tpu.memory_space<vmem>>) target(%dma_start3A_110 : memref<640xf32, #tpu.memory_space<vmem_shared>>) target_semaphore(%run_scoped3A : memref<!tpu.dma_semaphore, #tpu.memory_space<semaphore_mem>>)
      %dma_wait3A_111 = tpu.memref_slice %arg17[%mul3A_27] : memref<10240xf32, #tpu.memory_space<vmem_shared>> -> memref<640xf32, #tpu.memory_space<vmem_shared>>
      %dma_wait3A_112 = tpu.memref_slice %arg17[%mul3A_27] : memref<10240xf32, #tpu.memory_space<vmem_shared>> -> memref<640xf32, #tpu.memory_space<vmem_shared>>
      tpu.wait_dma2 semaphore(%run_scoped3A : memref<!tpu.dma_semaphore, #tpu.memory_space<semaphore_mem>>) src(%arg9 : memref<640xf32, #tpu.memory_space<vmem>>) dst(%dma_wait3A_112 : memref<640xf32, #tpu.memory_space<vmem_shared>>)
      tpu.yield
    }) : () -> ()
    "tpu.region"() ({
      %run_scoped3A = tpu.sem_alloc : memref<!tpu.dma_semaphore, #tpu.memory_space<semaphore_mem>>
      %dma_start3A_109 = tpu.memref_slice %arg18[%mul3A_27] : memref<10240xf32, #tpu.memory_space<vmem_shared>> -> memref<640xf32, #tpu.memory_space<vmem_shared>>
      %dma_start3A_110 = tpu.memref_slice %arg18[%mul3A_27] : memref<10240xf32, #tpu.memory_space<vmem_shared>> -> memref<640xf32, #tpu.memory_space<vmem_shared>>
      tpu.enqueue_dma source(%arg9 : memref<640xf32, #tpu.memory_space<vmem>>) target(%dma_start3A_110 : memref<640xf32, #tpu.memory_space<vmem_shared>>) target_semaphore(%run_scoped3A : memref<!tpu.dma_semaphore, #tpu.memory_space<semaphore_mem>>)
      %dma_wait3A_111 = tpu.memref_slice %arg18[%mul3A_27] : memref<10240xf32, #tpu.memory_space<vmem_shared>> -> memref<640xf32, #tpu.memory_space<vmem_shared>>
      %dma_wait3A_112 = tpu.memref_slice %arg18[%mul3A_27] : memref<10240xf32, #tpu.memory_space<vmem_shared>> -> memref<640xf32, #tpu.memory_space<vmem_shared>>
      tpu.wait_dma2 semaphore(%run_scoped3A : memref<!tpu.dma_semaphore, #tpu.memory_space<semaphore_mem>>) src(%arg9 : memref<640xf32, #tpu.memory_space<vmem>>) dst(%dma_wait3A_112 : memref<640xf32, #tpu.memory_space<vmem_shared>>)
      tpu.yield
    }) : () -> ()
    %dma_wait3A = tpu.memref_slice %arg2[%mul3A_5] : memref<640000xi32, #tpu.memory_space<hbm>> -> memref<20000xi32, #tpu.memory_space<hbm>>
    %dma_wait3A_28 = tpu.memref_slice %arg2[%mul3A_5] : memref<640000xi32, #tpu.memory_space<hbm>> -> memref<20000xi32, #tpu.memory_space<hbm>>
    tpu.wait_dma2 semaphore(%arg19 : memref<!tpu.dma_semaphore, #tpu.memory_space<semaphore_mem>>) src(%dma_wait3A_28 : memref<20000xi32, #tpu.memory_space<hbm>>) dst(%arg6 : memref<20000xi32, #tpu.memory_space<vmem>>)
    %dma_wait3A_29 = tpu.memref_slice %arg2[%add3A_10] : memref<640000xi32, #tpu.memory_space<hbm>> -> memref<20000xi32, #tpu.memory_space<hbm>>
    %dma_wait3A_30 = tpu.memref_slice %arg2[%add3A_10] : memref<640000xi32, #tpu.memory_space<hbm>> -> memref<20000xi32, #tpu.memory_space<hbm>>
    tpu.wait_dma2 semaphore(%arg19 : memref<!tpu.dma_semaphore, #tpu.memory_space<semaphore_mem>>) src(%dma_wait3A_30 : memref<20000xi32, #tpu.memory_space<hbm>>) dst(%arg7 : memref<20000xi32, #tpu.memory_space<vmem>>)
    %barrier3A = arith.constant 0 : index
    tpu.barrier barrier_id(%barrier3A)
    "tpu.trace_stop"() : () -> ()
    "tpu.trace_start"() <{level = 10 : i32, message = "ph1_hist"}> : () -> ()
    %dma_start3A_31 = arith.constant 0 : i32
    %dma_start3A_32 = tpu.memref_slice %arg15[%dma_start3A_31] : memref<10240xf32, #tpu.memory_space<vmem_shared>> -> memref<10240xf32, #tpu.memory_space<vmem_shared>>
    tpu.enqueue_indirect_dma source(%arg8 : memref<20000xf32, #tpu.memory_space<vmem>>) target(%dma_start3A_32 : memref<10240xf32, #tpu.memory_space<vmem_shared>>) offsets(%arg6 : memref<20000xi32, #tpu.memory_space<vmem>>) semaphore(%arg19 : memref<!tpu.dma_semaphore, #tpu.memory_space<semaphore_mem>>) {add = true}
    %dma_start3A_33 = arith.constant 0 : i32
    %dma_start3A_34 = tpu.memref_slice %arg16[%dma_start3A_33] : memref<10240xf32, #tpu.memory_space<vmem_shared>> -> memref<10240xf32, #tpu.memory_space<vmem_shared>>
    tpu.enqueue_indirect_dma source(%arg8 : memref<20000xf32, #tpu.memory_space<vmem>>) target(%dma_start3A_34 : memref<10240xf32, #tpu.memory_space<vmem_shared>>) offsets(%arg7 : memref<20000xi32, #tpu.memory_space<vmem>>) semaphore(%arg19 : memref<!tpu.dma_semaphore, #tpu.memory_space<semaphore_mem>>) {add = true}
    %dma_wait3A_35 = arith.constant 0 : i32
    %dma_wait3A_36 = tpu.memref_slice %arg15[%dma_wait3A_35] : memref<10240xf32, #tpu.memory_space<vmem_shared>> -> memref<10240xf32, #tpu.memory_space<vmem_shared>>
    tpu.wait_indirect_dma semaphore(%arg19 : memref<!tpu.dma_semaphore, #tpu.memory_space<semaphore_mem>>) src(%arg8 : memref<20000xf32, #tpu.memory_space<vmem>>) dst(%dma_wait3A_36 : memref<10240xf32, #tpu.memory_space<vmem_shared>>)
    %barrier3A_37 = arith.constant 0 : index
    tpu.barrier barrier_id(%barrier3A_37)
    %lt3A = arith.constant 31 : i32
    "tpu.trace_stop"() : () -> ()
    %lt3A_38 = arith.cmpi slt, %add3A, %lt3A : i32
    %convert_element_type3A = arith.extui %lt3A_38 : i1 to i32
    %cond3A = arith.constant 0 : i32
    %cond3A_39 = arith.cmpi ne, %convert_element_type3A, %cond3A : i32
    scf.if %cond3A_39 {
      %mul3A_109 = arith.constant 320 : i32
      %mul3A_110 = arith.muli %add3A, %mul3A_109 : i32
      "tpu.region"() ({
        %run_scoped3A = tpu.sem_alloc : memref<!tpu.dma_semaphore, #tpu.memory_space<semaphore_mem>>
        %dma_start3A_111 = tpu.memref_slice %arg3[%mul3A_110] : memref<10000xi32, #tpu.memory_space<hbm>> -> memref<320xi32, #tpu.memory_space<hbm>>
        %dma_start3A_112 = tpu.memref_slice %arg3[%mul3A_110] : memref<10000xi32, #tpu.memory_space<hbm>> -> memref<320xi32, #tpu.memory_space<hbm>>
        tpu.enqueue_dma source(%dma_start3A_112 : memref<320xi32, #tpu.memory_space<hbm>>) target(%arg11 : memref<320xi32, #tpu.memory_space<vmem>>) target_semaphore(%run_scoped3A : memref<!tpu.dma_semaphore, #tpu.memory_space<semaphore_mem>>)
        %dma_wait3A_113 = tpu.memref_slice %arg3[%mul3A_110] : memref<10000xi32, #tpu.memory_space<hbm>> -> memref<320xi32, #tpu.memory_space<hbm>>
        %dma_wait3A_114 = tpu.memref_slice %arg3[%mul3A_110] : memref<10000xi32, #tpu.memory_space<hbm>> -> memref<320xi32, #tpu.memory_space<hbm>>
        tpu.wait_dma2 semaphore(%run_scoped3A : memref<!tpu.dma_semaphore, #tpu.memory_space<semaphore_mem>>) src(%dma_wait3A_114 : memref<320xi32, #tpu.memory_space<hbm>>) dst(%arg11 : memref<320xi32, #tpu.memory_space<vmem>>)
        tpu.yield
      }) : () -> ()
    } else {
    }
    %eq3A = arith.constant 31 : i32
    %eq3A_40 = arith.cmpi eq, %add3A, %eq3A : i32
    %convert_element_type3A_41 = arith.extui %eq3A_40 : i1 to i32
    %cond3A_42 = arith.constant 0 : i32
    %cond3A_43 = arith.cmpi ne, %convert_element_type3A_41, %cond3A_42 : i32
    scf.if %cond3A_43 {
      %broadcast_in_dim3A_109 = arith.constant 0 : i32
      %broadcast_in_dim3A_110 = vector.broadcast %broadcast_in_dim3A_109 : i32 to vector<16xi32>
      %scan3A_111 = arith.constant 0 : i32
      %scan3A_112 = arith.constant 5 : i32
      %scan3A_113 = arith.constant 15 : i32
      %scan3A_114 = arith.addi %scan3A_112, %scan3A_113 : i32
      %scan3A_115 = arith.constant 1 : i32
      %scan3A_116 = scf.for %scan3A_118 = %scan3A_112 to %scan3A_114 step %scan3A_115 iter_args(%scan3A_119 = %scan3A_111) -> (i32)  : i32 {
        %mul3A_120 = arith.constant 16 : i32
        %mul3A_121 = arith.muli %scan3A_118, %mul3A_120 : i32
        %swap3A_122 = arith.index_cast %mul3A_121 : i32 to index
        %swap3A_123 = tpu.vector_load %arg11[%swap3A_122] {strides = array<i32>} : memref<320xi32, #tpu.memory_space<vmem>>, vector<16xi32>,
        %swap3A_124 = vector.shape_cast %swap3A_123 : vector<16xi32> to vector<16xi32>
        %swap3A_125 = vector.shape_cast %broadcast_in_dim3A_110 : vector<16xi32> to vector<16xi32>
        tpu.vector_store %arg11[%swap3A_122], %swap3A_125 {strides = array<i32>} : memref<320xi32, #tpu.memory_space<vmem>>, vector<16xi32>,
        %scan3A_126 = arith.constant 0 : i32
        scf.yield %scan3A_126 : i32
      }
      %scan3A_117 = arith.constant 15 : i32
      "tpu.region"() ({
        %run_scoped3A = tpu.sem_alloc : memref<!tpu.dma_semaphore, #tpu.memory_space<semaphore_mem>>
        %dma_start3A_118 = arith.constant 0 : i32
        %dma_start3A_119 = tpu.memref_slice %arg11[%dma_start3A_118] : memref<320xi32, #tpu.memory_space<vmem>> -> memref<80xi32, #tpu.memory_space<vmem>>
        %dma_start3A_120 = arith.constant 9920 : i32
        %dma_start3A_121 = tpu.memref_slice %arg3[%dma_start3A_120] : memref<10000xi32, #tpu.memory_space<hbm>> -> memref<80xi32, #tpu.memory_space<hbm>>
        %dma_start3A_122 = arith.constant 0 : i32
        %dma_start3A_123 = tpu.memref_slice %arg11[%dma_start3A_122] : memref<320xi32, #tpu.memory_space<vmem>> -> memref<80xi32, #tpu.memory_space<vmem>>
        %dma_start3A_124 = arith.constant 9920 : i32
        %dma_start3A_125 = tpu.memref_slice %arg3[%dma_start3A_124] : memref<10000xi32, #tpu.memory_space<hbm>> -> memref<80xi32, #tpu.memory_space<hbm>>
        tpu.enqueue_dma source(%dma_start3A_125 : memref<80xi32, #tpu.memory_space<hbm>>) target(%dma_start3A_123 : memref<80xi32, #tpu.memory_space<vmem>>) target_semaphore(%run_scoped3A : memref<!tpu.dma_semaphore, #tpu.memory_space<semaphore_mem>>)
        %dma_wait3A_126 = arith.constant 0 : i32
        %dma_wait3A_127 = tpu.memref_slice %arg11[%dma_wait3A_126] : memref<320xi32, #tpu.memory_space<vmem>> -> memref<80xi32, #tpu.memory_space<vmem>>
        %dma_wait3A_128 = arith.constant 9920 : i32
        %dma_wait3A_129 = tpu.memref_slice %arg3[%dma_wait3A_128] : memref<10000xi32, #tpu.memory_space<hbm>> -> memref<80xi32, #tpu.memory_space<hbm>>
        %dma_wait3A_130 = arith.constant 0 : i32
        %dma_wait3A_131 = tpu.memref_slice %arg11[%dma_wait3A_130] : memref<320xi32, #tpu.memory_space<vmem>> -> memref<80xi32, #tpu.memory_space<vmem>>
        %dma_wait3A_132 = arith.constant 9920 : i32
        %dma_wait3A_133 = tpu.memref_slice %arg3[%dma_wait3A_132] : memref<10000xi32, #tpu.memory_space<hbm>> -> memref<80xi32, #tpu.memory_space<hbm>>
        tpu.wait_dma2 semaphore(%run_scoped3A : memref<!tpu.dma_semaphore, #tpu.memory_space<semaphore_mem>>) src(%dma_wait3A_133 : memref<80xi32, #tpu.memory_space<hbm>>) dst(%dma_wait3A_131 : memref<80xi32, #tpu.memory_space<vmem>>)
        tpu.yield
      }) : () -> ()
    } else {
    }
    %dma_start3A_44 = arith.constant 0 : i32
    %dma_start3A_45 = arith.constant 0 : i32
    %dma_start3A_46 = tpu.memref_slice %arg4[%dma_start3A_44, %dma_start3A_45] : memref<100000x128xf32, #tpu.memory_space<hbm>> -> memref<100000x128xf32, #tpu.memory_space<hbm>>
    tpu.enqueue_indirect_dma source(%dma_start3A_46 : memref<100000x128xf32, #tpu.memory_space<hbm>>) target(%arg12 : memref<320x128xf32, #tpu.memory_space<vmem>>) offsets(%arg11 : memref<320xi32, #tpu.memory_space<vmem>>) semaphore(%arg20 : memref<!tpu.dma_semaphore, #tpu.memory_space<semaphore_mem>>)
    "tpu.trace_start"() <{level = 10 : i32, message = "ph2_inv"}> : () -> ()
    "tpu.region"() ({
      %run_scoped3A = tpu.sem_alloc : memref<!tpu.dma_semaphore, #tpu.memory_space<semaphore_mem>>
      %dma_start3A_109 = tpu.memref_slice %arg15[%mul3A_27] : memref<10240xf32, #tpu.memory_space<vmem_shared>> -> memref<640xf32, #tpu.memory_space<vmem_shared>>
      %dma_start3A_110 = tpu.memref_slice %arg15[%mul3A_27] : memref<10240xf32, #tpu.memory_space<vmem_shared>> -> memref<640xf32, #tpu.memory_space<vmem_shared>>
      tpu.enqueue_dma source(%dma_start3A_110 : memref<640xf32, #tpu.memory_space<vmem_shared>>) target(%arg9 : memref<640xf32, #tpu.memory_space<vmem>>) target_semaphore(%run_scoped3A : memref<!tpu.dma_semaphore, #tpu.memory_space<semaphore_mem>>)
      %dma_wait3A_111 = tpu.memref_slice %arg15[%mul3A_27] : memref<10240xf32, #tpu.memory_space<vmem_shared>> -> memref<640xf32, #tpu.memory_space<vmem_shared>>
      %dma_wait3A_112 = tpu.memref_slice %arg15[%mul3A_27] : memref<10240xf32, #tpu.memory_space<vmem_shared>> -> memref<640xf32, #tpu.memory_space<vmem_shared>>
      tpu.wait_dma2 semaphore(%run_scoped3A : memref<!tpu.dma_semaphore, #tpu.memory_space<semaphore_mem>>) src(%dma_wait3A_112 : memref<640xf32, #tpu.memory_space<vmem_shared>>) dst(%arg9 : memref<640xf32, #tpu.memory_space<vmem>>)
      tpu.yield
    }) : () -> ()
    %scan3A_47 = arith.constant 0 : i32
    %scan3A_48 = arith.constant 0 : i32
    %scan3A_49 = arith.constant 40 : i32
    %scan3A_50 = arith.addi %scan3A_48, %scan3A_49 : i32
    %scan3A_51 = arith.constant 1 : i32
    %scan3A_52 = scf.for %scan3A_109 = %scan3A_48 to %scan3A_50 step %scan3A_51 iter_args(%scan3A_110 = %scan3A_47) -> (i32)  : i32 {
      %mul3A_111 = arith.constant 16 : i32
      %mul3A_112 = arith.muli %scan3A_109, %mul3A_111 : i32
      %get3A = arith.index_cast %mul3A_112 : i32 to index
      %get3A_113 = tpu.vector_load %arg9[%get3A] {strides = array<i32>} : memref<640xf32, #tpu.memory_space<vmem>>, vector<16xf32>,
      %get3A_114 = vector.shape_cast %get3A_113 : vector<16xf32> to vector<16xf32>
      %max3A = arith.constant 1.000000e+00 : f32
      %max3A_115 = vector.broadcast %max3A : f32 to vector<16xf32>
      %max3A_116 = arith.maximumf %get3A_114, %max3A_115 : vector<16xf32>
      %div3A = arith.constant 1.000000e+00 : f32
      %div3A_117 = vector.broadcast %div3A : f32 to vector<16xf32>
      %div3A_118 = arith.divf %div3A_117, %max3A_116 : vector<16xf32>
      %mul3A_119 = arith.constant 16 : i32
      %mul3A_120 = arith.muli %scan3A_109, %mul3A_119 : i32
      %swap3A_121 = arith.index_cast %mul3A_120 : i32 to index
      %swap3A_122 = tpu.vector_load %arg9[%swap3A_121] {strides = array<i32>} : memref<640xf32, #tpu.memory_space<vmem>>, vector<16xf32>,
      %swap3A_123 = vector.shape_cast %swap3A_122 : vector<16xf32> to vector<16xf32>
      %swap3A_124 = vector.shape_cast %div3A_118 : vector<16xf32> to vector<16xf32>
      tpu.vector_store %arg9[%swap3A_121], %swap3A_124 {strides = array<i32>} : memref<640xf32, #tpu.memory_space<vmem>>, vector<16xf32>,
      %scan3A_125 = arith.constant 0 : i32
      scf.yield %scan3A_125 : i32
    }
    %scan3A_53 = arith.constant 40 : i32
    "tpu.region"() ({
      %run_scoped3A = tpu.sem_alloc : memref<!tpu.dma_semaphore, #tpu.memory_space<semaphore_mem>>
      %dma_start3A_109 = tpu.memref_slice %arg15[%mul3A_27] : memref<10240xf32, #tpu.memory_space<vmem_shared>> -> memref<640xf32, #tpu.memory_space<vmem_shared>>
      %dma_start3A_110 = tpu.memref_slice %arg15[%mul3A_27] : memref<10240xf32, #tpu.memory_space<vmem_shared>> -> memref<640xf32, #tpu.memory_space<vmem_shared>>
      tpu.enqueue_dma source(%arg9 : memref<640xf32, #tpu.memory_space<vmem>>) target(%dma_start3A_110 : memref<640xf32, #tpu.memory_space<vmem_shared>>) target_semaphore(%run_scoped3A : memref<!tpu.dma_semaphore, #tpu.memory_space<semaphore_mem>>)
      %dma_wait3A_111 = tpu.memref_slice %arg15[%mul3A_27] : memref<10240xf32, #tpu.memory_space<vmem_shared>> -> memref<640xf32, #tpu.memory_space<vmem_shared>>
      %dma_wait3A_112 = tpu.memref_slice %arg15[%mul3A_27] : memref<10240xf32, #tpu.memory_space<vmem_shared>> -> memref<640xf32, #tpu.memory_space<vmem_shared>>
      tpu.wait_dma2 semaphore(%run_scoped3A : memref<!tpu.dma_semaphore, #tpu.memory_space<semaphore_mem>>) src(%arg9 : memref<640xf32, #tpu.memory_space<vmem>>) dst(%dma_wait3A_112 : memref<640xf32, #tpu.memory_space<vmem_shared>>)
      tpu.yield
    }) : () -> ()
    %barrier3A_54 = arith.constant 0 : index
    tpu.barrier barrier_id(%barrier3A_54)
    "tpu.trace_stop"() : () -> ()
    "tpu.trace_start"() <{level = 10 : i32, message = "ph3_gsc"}> : () -> ()
    %dma_wait3A_55 = arith.constant 0 : i32
    %dma_wait3A_56 = tpu.memref_slice %arg16[%dma_wait3A_55] : memref<10240xf32, #tpu.memory_space<vmem_shared>> -> memref<10240xf32, #tpu.memory_space<vmem_shared>>
    tpu.wait_indirect_dma semaphore(%arg19 : memref<!tpu.dma_semaphore, #tpu.memory_space<semaphore_mem>>) src(%arg8 : memref<20000xf32, #tpu.memory_space<vmem>>) dst(%dma_wait3A_56 : memref<10240xf32, #tpu.memory_space<vmem_shared>>)
    "tpu.region"() ({
      %run_scoped3A = tpu.sem_alloc : memref<!tpu.dma_semaphore, #tpu.memory_space<semaphore_mem>>
      %dma_start3A_109 = arith.constant 0 : i32
      %dma_start3A_110 = tpu.memref_slice %arg15[%dma_start3A_109] : memref<10240xf32, #tpu.memory_space<vmem_shared>> -> memref<10240xf32, #tpu.memory_space<vmem_shared>>
      tpu.enqueue_indirect_dma source(%dma_start3A_110 : memref<10240xf32, #tpu.memory_space<vmem_shared>>) target(%arg8 : memref<20000xf32, #tpu.memory_space<vmem>>) offsets(%arg6 : memref<20000xi32, #tpu.memory_space<vmem>>) semaphore(%run_scoped3A : memref<!tpu.dma_semaphore, #tpu.memory_space<semaphore_mem>>)
      %dma_wait3A_111 = arith.constant 0 : i32
      %dma_wait3A_112 = tpu.memref_slice %arg15[%dma_wait3A_111] : memref<10240xf32, #tpu.memory_space<vmem_shared>> -> memref<10240xf32, #tpu.memory_space<vmem_shared>>
      tpu.wait_indirect_dma semaphore(%run_scoped3A : memref<!tpu.dma_semaphore, #tpu.memory_space<semaphore_mem>>) src(%dma_wait3A_112 : memref<10240xf32, #tpu.memory_space<vmem_shared>>) dst(%arg8 : memref<20000xf32, #tpu.memory_space<vmem>>)
      tpu.yield
    }) : () -> ()
    "tpu.region"() ({
      %run_scoped3A = tpu.sem_alloc : memref<!tpu.dma_semaphore, #tpu.memory_space<semaphore_mem>>
      %dma_start3A_109 = arith.constant 0 : i32
      %dma_start3A_110 = tpu.memref_slice %arg17[%dma_start3A_109] : memref<10240xf32, #tpu.memory_space<vmem_shared>> -> memref<10240xf32, #tpu.memory_space<vmem_shared>>
      tpu.enqueue_indirect_dma source(%arg8 : memref<20000xf32, #tpu.memory_space<vmem>>) target(%dma_start3A_110 : memref<10240xf32, #tpu.memory_space<vmem_shared>>) offsets(%arg7 : memref<20000xi32, #tpu.memory_space<vmem>>) semaphore(%run_scoped3A : memref<!tpu.dma_semaphore, #tpu.memory_space<semaphore_mem>>) {add = true}
      %dma_wait3A_111 = arith.constant 0 : i32
      %dma_wait3A_112 = tpu.memref_slice %arg17[%dma_wait3A_111] : memref<10240xf32, #tpu.memory_space<vmem_shared>> -> memref<10240xf32, #tpu.memory_space<vmem_shared>>
      tpu.wait_indirect_dma semaphore(%run_scoped3A : memref<!tpu.dma_semaphore, #tpu.memory_space<semaphore_mem>>) src(%arg8 : memref<20000xf32, #tpu.memory_space<vmem>>) dst(%dma_wait3A_112 : memref<10240xf32, #tpu.memory_space<vmem_shared>>)
      tpu.yield
    }) : () -> ()
    %barrier3A_57 = arith.constant 0 : index
    tpu.barrier barrier_id(%barrier3A_57)
    "tpu.trace_stop"() : () -> ()
    "tpu.trace_start"() <{level = 10 : i32, message = "ph4_w"}> : () -> ()
    "tpu.region"() ({
      %run_scoped3A = tpu.sem_alloc : memref<!tpu.dma_semaphore, #tpu.memory_space<semaphore_mem>>
      %dma_start3A_109 = tpu.memref_slice %arg17[%mul3A_27] : memref<10240xf32, #tpu.memory_space<vmem_shared>> -> memref<640xf32, #tpu.memory_space<vmem_shared>>
      %dma_start3A_110 = tpu.memref_slice %arg17[%mul3A_27] : memref<10240xf32, #tpu.memory_space<vmem_shared>> -> memref<640xf32, #tpu.memory_space<vmem_shared>>
      tpu.enqueue_dma source(%dma_start3A_110 : memref<640xf32, #tpu.memory_space<vmem_shared>>) target(%arg9 : memref<640xf32, #tpu.memory_space<vmem>>) target_semaphore(%run_scoped3A : memref<!tpu.dma_semaphore, #tpu.memory_space<semaphore_mem>>)
      %dma_wait3A_111 = tpu.memref_slice %arg17[%mul3A_27] : memref<10240xf32, #tpu.memory_space<vmem_shared>> -> memref<640xf32, #tpu.memory_space<vmem_shared>>
      %dma_wait3A_112 = tpu.memref_slice %arg17[%mul3A_27] : memref<10240xf32, #tpu.memory_space<vmem_shared>> -> memref<640xf32, #tpu.memory_space<vmem_shared>>
      tpu.wait_dma2 semaphore(%run_scoped3A : memref<!tpu.dma_semaphore, #tpu.memory_space<semaphore_mem>>) src(%dma_wait3A_112 : memref<640xf32, #tpu.memory_space<vmem_shared>>) dst(%arg9 : memref<640xf32, #tpu.memory_space<vmem>>)
      tpu.yield
    }) : () -> ()
    "tpu.region"() ({
      %run_scoped3A = tpu.sem_alloc : memref<!tpu.dma_semaphore, #tpu.memory_space<semaphore_mem>>
      %dma_start3A_109 = tpu.memref_slice %arg16[%mul3A_27] : memref<10240xf32, #tpu.memory_space<vmem_shared>> -> memref<640xf32, #tpu.memory_space<vmem_shared>>
      %dma_start3A_110 = tpu.memref_slice %arg16[%mul3A_27] : memref<10240xf32, #tpu.memory_space<vmem_shared>> -> memref<640xf32, #tpu.memory_space<vmem_shared>>
      tpu.enqueue_dma source(%dma_start3A_110 : memref<640xf32, #tpu.memory_space<vmem_shared>>) target(%arg10 : memref<640xf32, #tpu.memory_space<vmem>>) target_semaphore(%run_scoped3A : memref<!tpu.dma_semaphore, #tpu.memory_space<semaphore_mem>>)
      %dma_wait3A_111 = tpu.memref_slice %arg16[%mul3A_27] : memref<10240xf32, #tpu.memory_space<vmem_shared>> -> memref<640xf32, #tpu.memory_space<vmem_shared>>
      %dma_wait3A_112 = tpu.memref_slice %arg16[%mul3A_27] : memref<10240xf32, #tpu.memory_space<vmem_shared>> -> memref<640xf32, #tpu.memory_space<vmem_shared>>
      tpu.wait_dma2 semaphore(%run_scoped3A : memref<!tpu.dma_semaphore, #tpu.memory_space<semaphore_mem>>) src(%dma_wait3A_112 : memref<640xf32, #tpu.memory_space<vmem_shared>>) dst(%arg10 : memref<640xf32, #tpu.memory_space<vmem>>)
      tpu.yield
    }) : () -> ()
    %scan3A_58 = arith.constant 0 : i32
    %scan3A_59 = arith.constant 0 : i32
    %scan3A_60 = arith.constant 40 : i32
    %scan3A_61 = arith.addi %scan3A_59, %scan3A_60 : i32
    %scan3A_62 = arith.constant 1 : i32
    %scan3A_63 = scf.for %scan3A_109 = %scan3A_59 to %scan3A_61 step %scan3A_62 iter_args(%scan3A_110 = %scan3A_58) -> (i32)  : i32 {
      %mul3A_111 = arith.constant 16 : i32
      %mul3A_112 = arith.muli %scan3A_109, %mul3A_111 : i32
      %get3A = arith.index_cast %mul3A_112 : i32 to index
      %get3A_113 = tpu.vector_load %arg9[%get3A] {strides = array<i32>} : memref<640xf32, #tpu.memory_space<vmem>>, vector<16xf32>,
      %get3A_114 = vector.shape_cast %get3A_113 : vector<16xf32> to vector<16xf32>
      %mul3A_115 = arith.constant 16 : i32
      %mul3A_116 = arith.muli %scan3A_109, %mul3A_115 : i32
      %get3A_117 = arith.index_cast %mul3A_116 : i32 to index
      %get3A_118 = tpu.vector_load %arg10[%get3A_117] {strides = array<i32>} : memref<640xf32, #tpu.memory_space<vmem>>, vector<16xf32>,
      %get3A_119 = vector.shape_cast %get3A_118 : vector<16xf32> to vector<16xf32>
      %max3A = arith.constant 1.000000e+00 : f32
      %max3A_120 = vector.broadcast %max3A : f32 to vector<16xf32>
      %max3A_121 = arith.maximumf %get3A_119, %max3A_120 : vector<16xf32>
      %div3A = arith.divf %get3A_114, %max3A_121 : vector<16xf32>
      %mul3A_122 = arith.constant 16 : i32
      %mul3A_123 = arith.muli %scan3A_109, %mul3A_122 : i32
      %swap3A_124 = arith.index_cast %mul3A_123 : i32 to index
      %swap3A_125 = tpu.vector_load %arg9[%swap3A_124] {strides = array<i32>} : memref<640xf32, #tpu.memory_space<vmem>>, vector<16xf32>,
      %swap3A_126 = vector.shape_cast %swap3A_125 : vector<16xf32> to vector<16xf32>
      %swap3A_127 = vector.shape_cast %div3A : vector<16xf32> to vector<16xf32>
      tpu.vector_store %arg9[%swap3A_124], %swap3A_127 {strides = array<i32>} : memref<640xf32, #tpu.memory_space<vmem>>, vector<16xf32>,
      %scan3A_128 = arith.constant 0 : i32
      scf.yield %scan3A_128 : i32
    }
    %scan3A_64 = arith.constant 40 : i32
    "tpu.region"() ({
      %run_scoped3A = tpu.sem_alloc : memref<!tpu.dma_semaphore, #tpu.memory_space<semaphore_mem>>
      %dma_start3A_109 = tpu.memref_slice %arg17[%mul3A_27] : memref<10240xf32, #tpu.memory_space<vmem_shared>> -> memref<640xf32, #tpu.memory_space<vmem_shared>>
      %dma_start3A_110 = tpu.memref_slice %arg17[%mul3A_27] : memref<10240xf32, #tpu.memory_space<vmem_shared>> -> memref<640xf32, #tpu.memory_space<vmem_shared>>
      tpu.enqueue_dma source(%arg9 : memref<640xf32, #tpu.memory_space<vmem>>) target(%dma_start3A_110 : memref<640xf32, #tpu.memory_space<vmem_shared>>) target_semaphore(%run_scoped3A : memref<!tpu.dma_semaphore, #tpu.memory_space<semaphore_mem>>)
      %dma_wait3A_111 = tpu.memref_slice %arg17[%mul3A_27] : memref<10240xf32, #tpu.memory_space<vmem_shared>> -> memref<640xf32, #tpu.memory_space<vmem_shared>>
      %dma_wait3A_112 = tpu.memref_slice %arg17[%mul3A_27] : memref<10240xf32, #tpu.memory_space<vmem_shared>> -> memref<640xf32, #tpu.memory_space<vmem_shared>>
      tpu.wait_dma2 semaphore(%run_scoped3A : memref<!tpu.dma_semaphore, #tpu.memory_space<semaphore_mem>>) src(%arg9 : memref<640xf32, #tpu.memory_space<vmem>>) dst(%dma_wait3A_112 : memref<640xf32, #tpu.memory_space<vmem_shared>>)
      tpu.yield
    }) : () -> ()
    %barrier3A_65 = arith.constant 0 : index
    tpu.barrier barrier_id(%barrier3A_65)
    "tpu.trace_stop"() : () -> ()
    "tpu.trace_start"() <{level = 10 : i32, message = "ph5_gsc"}> : () -> ()
    "tpu.region"() ({
      %run_scoped3A = tpu.sem_alloc : memref<!tpu.dma_semaphore, #tpu.memory_space<semaphore_mem>>
      %dma_start3A_109 = arith.constant 0 : i32
      %dma_start3A_110 = tpu.memref_slice %arg17[%dma_start3A_109] : memref<10240xf32, #tpu.memory_space<vmem_shared>> -> memref<10240xf32, #tpu.memory_space<vmem_shared>>
      tpu.enqueue_indirect_dma source(%dma_start3A_110 : memref<10240xf32, #tpu.memory_space<vmem_shared>>) target(%arg8 : memref<20000xf32, #tpu.memory_space<vmem>>) offsets(%arg7 : memref<20000xi32, #tpu.memory_space<vmem>>) semaphore(%run_scoped3A : memref<!tpu.dma_semaphore, #tpu.memory_space<semaphore_mem>>)
      %dma_wait3A_111 = arith.constant 0 : i32
      %dma_wait3A_112 = tpu.memref_slice %arg17[%dma_wait3A_111] : memref<10240xf32, #tpu.memory_space<vmem_shared>> -> memref<10240xf32, #tpu.memory_space<vmem_shared>>
      tpu.wait_indirect_dma semaphore(%run_scoped3A : memref<!tpu.dma_semaphore, #tpu.memory_space<semaphore_mem>>) src(%dma_wait3A_112 : memref<10240xf32, #tpu.memory_space<vmem_shared>>) dst(%arg8 : memref<20000xf32, #tpu.memory_space<vmem>>)
      tpu.yield
    }) : () -> ()
    "tpu.region"() ({
      %run_scoped3A = tpu.sem_alloc : memref<!tpu.dma_semaphore, #tpu.memory_space<semaphore_mem>>
      %dma_start3A_109 = arith.constant 0 : i32
      %dma_start3A_110 = tpu.memref_slice %arg18[%dma_start3A_109] : memref<10240xf32, #tpu.memory_space<vmem_shared>> -> memref<10240xf32, #tpu.memory_space<vmem_shared>>
      tpu.enqueue_indirect_dma source(%arg8 : memref<20000xf32, #tpu.memory_space<vmem>>) target(%dma_start3A_110 : memref<10240xf32, #tpu.memory_space<vmem_shared>>) offsets(%arg6 : memref<20000xi32, #tpu.memory_space<vmem>>) semaphore(%run_scoped3A : memref<!tpu.dma_semaphore, #tpu.memory_space<semaphore_mem>>) {add = true}
      %dma_wait3A_111 = arith.constant 0 : i32
      %dma_wait3A_112 = tpu.memref_slice %arg18[%dma_wait3A_111] : memref<10240xf32, #tpu.memory_space<vmem_shared>> -> memref<10240xf32, #tpu.memory_space<vmem_shared>>
      tpu.wait_indirect_dma semaphore(%run_scoped3A : memref<!tpu.dma_semaphore, #tpu.memory_space<semaphore_mem>>) src(%arg8 : memref<20000xf32, #tpu.memory_space<vmem>>) dst(%dma_wait3A_112 : memref<10240xf32, #tpu.memory_space<vmem_shared>>)
      tpu.yield
    }) : () -> ()
    %barrier3A_66 = arith.constant 0 : index
    tpu.barrier barrier_id(%barrier3A_66)
    "tpu.trace_stop"() : () -> ()
    "tpu.trace_start"() <{level = 10 : i32, message = "ph6_cvec"}> : () -> ()
    %mul3A_67 = arith.constant 320 : i32
    %mul3A_68 = arith.muli %add3A, %mul3A_67 : i32
    "tpu.region"() ({
      %run_scoped3A = tpu.sem_alloc : memref<!tpu.dma_semaphore, #tpu.memory_space<semaphore_mem>>
      %dma_start3A_109 = tpu.memref_slice %arg18[%mul3A_68] : memref<10240xf32, #tpu.memory_space<vmem_shared>> -> memref<320xf32, #tpu.memory_space<vmem_shared>>
      %dma_start3A_110 = tpu.memref_slice %arg18[%mul3A_68] : memref<10240xf32, #tpu.memory_space<vmem_shared>> -> memref<320xf32, #tpu.memory_space<vmem_shared>>
      tpu.enqueue_dma source(%dma_start3A_110 : memref<320xf32, #tpu.memory_space<vmem_shared>>) target(%arg13 : memref<320xf32, #tpu.memory_space<vmem>>) target_semaphore(%run_scoped3A : memref<!tpu.dma_semaphore, #tpu.memory_space<semaphore_mem>>)
      %dma_wait3A_111 = tpu.memref_slice %arg18[%mul3A_68] : memref<10240xf32, #tpu.memory_space<vmem_shared>> -> memref<320xf32, #tpu.memory_space<vmem_shared>>
      %dma_wait3A_112 = tpu.memref_slice %arg18[%mul3A_68] : memref<10240xf32, #tpu.memory_space<vmem_shared>> -> memref<320xf32, #tpu.memory_space<vmem_shared>>
      tpu.wait_dma2 semaphore(%run_scoped3A : memref<!tpu.dma_semaphore, #tpu.memory_space<semaphore_mem>>) src(%dma_wait3A_112 : memref<320xf32, #tpu.memory_space<vmem_shared>>) dst(%arg13 : memref<320xf32, #tpu.memory_space<vmem>>)
      tpu.yield
    }) : () -> ()
    %dma_wait3A_69 = arith.constant 0 : i32
    %dma_wait3A_70 = arith.constant 0 : i32
    %dma_wait3A_71 = tpu.memref_slice %arg4[%dma_wait3A_69, %dma_wait3A_70] : memref<100000x128xf32, #tpu.memory_space<hbm>> -> memref<100000x128xf32, #tpu.memory_space<hbm>>
    tpu.wait_indirect_dma semaphore(%arg20 : memref<!tpu.dma_semaphore, #tpu.memory_space<semaphore_mem>>) src(%dma_wait3A_71 : memref<100000x128xf32, #tpu.memory_space<hbm>>) dst(%arg12 : memref<320x128xf32, #tpu.memory_space<vmem>>)
    "tpu.trace_stop"() : () -> ()
    "tpu.trace_start"() <{level = 10 : i32, message = "ph6_fma"}> : () -> ()
    %scan3A_72 = arith.constant 0 : i32
    %scan3A_73 = arith.constant 20 : i32
    %scan3A_74 = arith.addi %scan3A_72, %scan3A_73 : i32
    %scan3A_75 = arith.constant 1 : i32
    %scan3A_76:8 = scf.for %scan3A_109 = %scan3A_72 to %scan3A_74 step %scan3A_75 iter_args(%scan3A_110 = %broadcast_in_dim3A_3, %scan3A_111 = %broadcast_in_dim3A_3, %scan3A_112 = %broadcast_in_dim3A_3, %scan3A_113 = %broadcast_in_dim3A_3, %scan3A_114 = %broadcast_in_dim3A_3, %scan3A_115 = %broadcast_in_dim3A_3, %scan3A_116 = %broadcast_in_dim3A_3, %scan3A_117 = %broadcast_in_dim3A_3) -> (vector<16xf32>, vector<16xf32>, vector<16xf32>, vector<16xf32>, vector<16xf32>, vector<16xf32>, vector<16xf32>, vector<16xf32>)  : i32 {
      %mul3A_118 = arith.constant 16 : i32
      %mul3A_119 = arith.muli %scan3A_109, %mul3A_118 : i32
      %get3A = arith.index_cast %mul3A_119 : i32 to index
      %get3A_120 = tpu.vector_load %arg13[%get3A] {strides = array<i32>} : memref<320xf32, #tpu.memory_space<vmem>>, vector<16xf32>,
      %get3A_121 = vector.shape_cast %get3A_120 : vector<16xf32> to vector<16xf32>
      %slice3A = vector.extract_strided_slice %get3A_121 {offsets = [0], sizes = [1], strides = [1]} : vector<16xf32> to vector<1xf32>
      %squeeze3A = vector.extract %slice3A[0] : f32 from vector<1xf32>
      %broadcast_in_dim3A_122 = vector.broadcast %squeeze3A : f32 to vector<16xf32>
      %mul3A_123 = arith.constant 16 : i32
      %mul3A_124 = arith.muli %scan3A_109, %mul3A_123 : i32
      %add3A_125 = arith.constant 0 : i32
      %add3A_126 = arith.addi %mul3A_124, %add3A_125 : i32
      %get3A_127 = arith.index_cast %add3A_126 : i32 to index
      %get3A_128 = arith.constant 0 : index
      %get3A_129 = tpu.vector_load %arg12[%get3A_127, %get3A_128] {strides = array<i32>} : memref<320x128xf32, #tpu.memory_space<vmem>>, vector<1x16xf32>,
      %get3A_130 = vector.shape_cast %get3A_129 : vector<1x16xf32> to vector<16xf32>
      %mul3A_131 = arith.mulf %broadcast_in_dim3A_122, %get3A_130 : vector<16xf32>
      %add3A_132 = arith.addf %scan3A_110, %mul3A_131 : vector<16xf32>
      %get3A_133 = arith.index_cast %add3A_126 : i32 to index
      %get3A_134 = arith.constant 16 : index
      %get3A_135 = tpu.vector_load %arg12[%get3A_133, %get3A_134] {strides = array<i32>} : memref<320x128xf32, #tpu.memory_space<vmem>>, vector<1x16xf32>,
      %get3A_136 = vector.shape_cast %get3A_135 : vector<1x16xf32> to vector<16xf32>
      %mul3A_137 = arith.mulf %broadcast_in_dim3A_122, %get3A_136 : vector<16xf32>
      %add3A_138 = arith.addf %scan3A_111, %mul3A_137 : vector<16xf32>
      %get3A_139 = arith.index_cast %add3A_126 : i32 to index
      %get3A_140 = arith.constant 32 : index
      %get3A_141 = tpu.vector_load %arg12[%get3A_139, %get3A_140] {strides = array<i32>} : memref<320x128xf32, #tpu.memory_space<vmem>>, vector<1x16xf32>,
      %get3A_142 = vector.shape_cast %get3A_141 : vector<1x16xf32> to vector<16xf32>
      %mul3A_143 = arith.mulf %broadcast_in_dim3A_122, %get3A_142 : vector<16xf32>
      %add3A_144 = arith.addf %scan3A_112, %mul3A_143 : vector<16xf32>
      %get3A_145 = arith.index_cast %add3A_126 : i32 to index
      %get3A_146 = arith.constant 48 : index
      %get3A_147 = tpu.vector_load %arg12[%get3A_145, %get3A_146] {strides = array<i32>} : memref<320x128xf32, #tpu.memory_space<vmem>>, vector<1x16xf32>,
      %get3A_148 = vector.shape_cast %get3A_147 : vector<1x16xf32> to vector<16xf32>
      %mul3A_149 = arith.mulf %broadcast_in_dim3A_122, %get3A_148 : vector<16xf32>
      %add3A_150 = arith.addf %scan3A_113, %mul3A_149 : vector<16xf32>
      %get3A_151 = arith.index_cast %add3A_126 : i32 to index
      %get3A_152 = arith.constant 64 : index
      %get3A_153 = tpu.vector_load %arg12[%get3A_151, %get3A_152] {strides = array<i32>} : memref<320x128xf32, #tpu.memory_space<vmem>>, vector<1x16xf32>,
      %get3A_154 = vector.shape_cast %get3A_153 : vector<1x16xf32> to vector<16xf32>
      %mul3A_155 = arith.mulf %broadcast_in_dim3A_122, %get3A_154 : vector<16xf32>
      %add3A_156 = arith.addf %scan3A_114, %mul3A_155 : vector<16xf32>
      %get3A_157 = arith.index_cast %add3A_126 : i32 to index
      %get3A_158 = arith.constant 80 : index
      %get3A_159 = tpu.vector_load %arg12[%get3A_157, %get3A_158] {strides = array<i32>} : memref<320x128xf32, #tpu.memory_space<vmem>>, vector<1x16xf32>,
      %get3A_160 = vector.shape_cast %get3A_159 : vector<1x16xf32> to vector<16xf32>
      %mul3A_161 = arith.mulf %broadcast_in_dim3A_122, %get3A_160 : vector<16xf32>
      %add3A_162 = arith.addf %scan3A_115, %mul3A_161 : vector<16xf32>
      %get3A_163 = arith.index_cast %add3A_126 : i32 to index
      %get3A_164 = arith.constant 96 : index
      %get3A_165 = tpu.vector_load %arg12[%get3A_163, %get3A_164] {strides = array<i32>} : memref<320x128xf32, #tpu.memory_space<vmem>>, vector<1x16xf32>,
      %get3A_166 = vector.shape_cast %get3A_165 : vector<1x16xf32> to vector<16xf32>
      %mul3A_167 = arith.mulf %broadcast_in_dim3A_122, %get3A_166 : vector<16xf32>
      %add3A_168 = arith.addf %scan3A_116, %mul3A_167 : vector<16xf32>
      %get3A_169 = arith.index_cast %add3A_126 : i32 to index
      %get3A_170 = arith.constant 112 : index
      %get3A_171 = tpu.vector_load %arg12[%get3A_169, %get3A_170] {strides = array<i32>} : memref<320x128xf32, #tpu.memory_space<vmem>>, vector<1x16xf32>,
      %get3A_172 = vector.shape_cast %get3A_171 : vector<1x16xf32> to vector<16xf32>
      %mul3A_173 = arith.mulf %broadcast_in_dim3A_122, %get3A_172 : vector<16xf32>
      %add3A_174 = arith.addf %scan3A_117, %mul3A_173 : vector<16xf32>
      %slice3A_175 = vector.extract_strided_slice %get3A_121 {offsets = [1], sizes = [1], strides = [1]} : vector<16xf32> to vector<1xf32>
      %squeeze3A_176 = vector.extract %slice3A_175[0] : f32 from vector<1xf32>
      %broadcast_in_dim3A_177 = vector.broadcast %squeeze3A_176 : f32 to vector<16xf32>
      %mul3A_178 = arith.constant 16 : i32
      %mul3A_179 = arith.muli %scan3A_109, %mul3A_178 : i32
      %add3A_180 = arith.constant 1 : i32
      %add3A_181 = arith.addi %mul3A_179, %add3A_180 : i32
      %get3A_182 = arith.index_cast %add3A_181 : i32 to index
      %get3A_183 = arith.constant 0 : index
      %get3A_184 = tpu.vector_load %arg12[%get3A_182, %get3A_183] {strides = array<i32>} : memref<320x128xf32, #tpu.memory_space<vmem>>, vector<1x16xf32>,
      %get3A_185 = vector.shape_cast %get3A_184 : vector<1x16xf32> to vector<16xf32>
      %mul3A_186 = arith.mulf %broadcast_in_dim3A_177, %get3A_185 : vector<16xf32>
      %add3A_187 = arith.addf %add3A_132, %mul3A_186 : vector<16xf32>
      %get3A_188 = arith.index_cast %add3A_181 : i32 to index
      %get3A_189 = arith.constant 16 : index
      %get3A_190 = tpu.vector_load %arg12[%get3A_188, %get3A_189] {strides = array<i32>} : memref<320x128xf32, #tpu.memory_space<vmem>>, vector<1x16xf32>,
      %get3A_191 = vector.shape_cast %get3A_190 : vector<1x16xf32> to vector<16xf32>
      %mul3A_192 = arith.mulf %broadcast_in_dim3A_177, %get3A_191 : vector<16xf32>
      %add3A_193 = arith.addf %add3A_138, %mul3A_192 : vector<16xf32>
      %get3A_194 = arith.index_cast %add3A_181 : i32 to index
      %get3A_195 = arith.constant 32 : index
      %get3A_196 = tpu.vector_load %arg12[%get3A_194, %get3A_195] {strides = array<i32>} : memref<320x128xf32, #tpu.memory_space<vmem>>, vector<1x16xf32>,
      %get3A_197 = vector.shape_cast %get3A_196 : vector<1x16xf32> to vector<16xf32>
      %mul3A_198 = arith.mulf %broadcast_in_dim3A_177, %get3A_197 : vector<16xf32>
      %add3A_199 = arith.addf %add3A_144, %mul3A_198 : vector<16xf32>
      %get3A_200 = arith.index_cast %add3A_181 : i32 to index
      %get3A_201 = arith.constant 48 : index
      %get3A_202 = tpu.vector_load %arg12[%get3A_200, %get3A_201] {strides = array<i32>} : memref<320x128xf32, #tpu.memory_space<vmem>>, vector<1x16xf32>,
      %get3A_203 = vector.shape_cast %get3A_202 : vector<1x16xf32> to vector<16xf32>
      %mul3A_204 = arith.mulf %broadcast_in_dim3A_177, %get3A_203 : vector<16xf32>
      %add3A_205 = arith.addf %add3A_150, %mul3A_204 : vector<16xf32>
      %get3A_206 = arith.index_cast %add3A_181 : i32 to index
      %get3A_207 = arith.constant 64 : index
      %get3A_208 = tpu.vector_load %arg12[%get3A_206, %get3A_207] {strides = array<i32>} : memref<320x128xf32, #tpu.memory_space<vmem>>, vector<1x16xf32>,
      %get3A_209 = vector.shape_cast %get3A_208 : vector<1x16xf32> to vector<16xf32>
      %mul3A_210 = arith.mulf %broadcast_in_dim3A_177, %get3A_209 : vector<16xf32>
      %add3A_211 = arith.addf %add3A_156, %mul3A_210 : vector<16xf32>
      %get3A_212 = arith.index_cast %add3A_181 : i32 to index
      %get3A_213 = arith.constant 80 : index
      %get3A_214 = tpu.vector_load %arg12[%get3A_212, %get3A_213] {strides = array<i32>} : memref<320x128xf32, #tpu.memory_space<vmem>>, vector<1x16xf32>,
      %get3A_215 = vector.shape_cast %get3A_214 : vector<1x16xf32> to vector<16xf32>
      %mul3A_216 = arith.mulf %broadcast_in_dim3A_177, %get3A_215 : vector<16xf32>
      %add3A_217 = arith.addf %add3A_162, %mul3A_216 : vector<16xf32>
      %get3A_218 = arith.index_cast %add3A_181 : i32 to index
      %get3A_219 = arith.constant 96 : index
      %get3A_220 = tpu.vector_load %arg12[%get3A_218, %get3A_219] {strides = array<i32>} : memref<320x128xf32, #tpu.memory_space<vmem>>, vector<1x16xf32>,
      %get3A_221 = vector.shape_cast %get3A_220 : vector<1x16xf32> to vector<16xf32>
      %mul3A_222 = arith.mulf %broadcast_in_dim3A_177, %get3A_221 : vector<16xf32>
      %add3A_223 = arith.addf %add3A_168, %mul3A_222 : vector<16xf32>
      %get3A_224 = arith.index_cast %add3A_181 : i32 to index
      %get3A_225 = arith.constant 112 : index
      %get3A_226 = tpu.vector_load %arg12[%get3A_224, %get3A_225] {strides = array<i32>} : memref<320x128xf32, #tpu.memory_space<vmem>>, vector<1x16xf32>,
      %get3A_227 = vector.shape_cast %get3A_226 : vector<1x16xf32> to vector<16xf32>
      %mul3A_228 = arith.mulf %broadcast_in_dim3A_177, %get3A_227 : vector<16xf32>
      %add3A_229 = arith.addf %add3A_174, %mul3A_228 : vector<16xf32>
      %slice3A_230 = vector.extract_strided_slice %get3A_121 {offsets = [2], sizes = [1], strides = [1]} : vector<16xf32> to vector<1xf32>
      %squeeze3A_231 = vector.extract %slice3A_230[0] : f32 from vector<1xf32>
      %broadcast_in_dim3A_232 = vector.broadcast %squeeze3A_231 : f32 to vector<16xf32>
      %mul3A_233 = arith.constant 16 : i32
      %mul3A_234 = arith.muli %scan3A_109, %mul3A_233 : i32
      %add3A_235 = arith.constant 2 : i32
      %add3A_236 = arith.addi %mul3A_234, %add3A_235 : i32
      %get3A_237 = arith.index_cast %add3A_236 : i32 to index
      %get3A_238 = arith.constant 0 : index
      %get3A_239 = tpu.vector_load %arg12[%get3A_237, %get3A_238] {strides = array<i32>} : memref<320x128xf32, #tpu.memory_space<vmem>>, vector<1x16xf32>,
      %get3A_240 = vector.shape_cast %get3A_239 : vector<1x16xf32> to vector<16xf32>
      %mul3A_241 = arith.mulf %broadcast_in_dim3A_232, %get3A_240 : vector<16xf32>
      %add3A_242 = arith.addf %add3A_187, %mul3A_241 : vector<16xf32>
      %get3A_243 = arith.index_cast %add3A_236 : i32 to index
      %get3A_244 = arith.constant 16 : index
      %get3A_245 = tpu.vector_load %arg12[%get3A_243, %get3A_244] {strides = array<i32>} : memref<320x128xf32, #tpu.memory_space<vmem>>, vector<1x16xf32>,
      %get3A_246 = vector.shape_cast %get3A_245 : vector<1x16xf32> to vector<16xf32>
      %mul3A_247 = arith.mulf %broadcast_in_dim3A_232, %get3A_246 : vector<16xf32>
      %add3A_248 = arith.addf %add3A_193, %mul3A_247 : vector<16xf32>
      %get3A_249 = arith.index_cast %add3A_236 : i32 to index
      %get3A_250 = arith.constant 32 : index
      %get3A_251 = tpu.vector_load %arg12[%get3A_249, %get3A_250] {strides = array<i32>} : memref<320x128xf32, #tpu.memory_space<vmem>>, vector<1x16xf32>,
      %get3A_252 = vector.shape_cast %get3A_251 : vector<1x16xf32> to vector<16xf32>
      %mul3A_253 = arith.mulf %broadcast_in_dim3A_232, %get3A_252 : vector<16xf32>
      %add3A_254 = arith.addf %add3A_199, %mul3A_253 : vector<16xf32>
      %get3A_255 = arith.index_cast %add3A_236 : i32 to index
      %get3A_256 = arith.constant 48 : index
      %get3A_257 = tpu.vector_load %arg12[%get3A_255, %get3A_256] {strides = array<i32>} : memref<320x128xf32, #tpu.memory_space<vmem>>, vector<1x16xf32>,
      %get3A_258 = vector.shape_cast %get3A_257 : vector<1x16xf32> to vector<16xf32>
      %mul3A_259 = arith.mulf %broadcast_in_dim3A_232, %get3A_258 : vector<16xf32>
      %add3A_260 = arith.addf %add3A_205, %mul3A_259 : vector<16xf32>
      %get3A_261 = arith.index_cast %add3A_236 : i32 to index
      %get3A_262 = arith.constant 64 : index
      %get3A_263 = tpu.vector_load %arg12[%get3A_261, %get3A_262] {strides = array<i32>} : memref<320x128xf32, #tpu.memory_space<vmem>>, vector<1x16xf32>,
      %get3A_264 = vector.shape_cast %get3A_263 : vector<1x16xf32> to vector<16xf32>
      %mul3A_265 = arith.mulf %broadcast_in_dim3A_232, %get3A_264 : vector<16xf32>
      %add3A_266 = arith.addf %add3A_211, %mul3A_265 : vector<16xf32>
      %get3A_267 = arith.index_cast %add3A_236 : i32 to index
      %get3A_268 = arith.constant 80 : index
      %get3A_269 = tpu.vector_load %arg12[%get3A_267, %get3A_268] {strides = array<i32>} : memref<320x128xf32, #tpu.memory_space<vmem>>, vector<1x16xf32>,
      %get3A_270 = vector.shape_cast %get3A_269 : vector<1x16xf32> to vector<16xf32>
      %mul3A_271 = arith.mulf %broadcast_in_dim3A_232, %get3A_270 : vector<16xf32>
      %add3A_272 = arith.addf %add3A_217, %mul3A_271 : vector<16xf32>
      %get3A_273 = arith.index_cast %add3A_236 : i32 to index
      %get3A_274 = arith.constant 96 : index
      %get3A_275 = tpu.vector_load %arg12[%get3A_273, %get3A_274] {strides = array<i32>} : memref<320x128xf32, #tpu.memory_space<vmem>>, vector<1x16xf32>,
      %get3A_276 = vector.shape_cast %get3A_275 : vector<1x16xf32> to vector<16xf32>
      %mul3A_277 = arith.mulf %broadcast_in_dim3A_232, %get3A_276 : vector<16xf32>
      %add3A_278 = arith.addf %add3A_223, %mul3A_277 : vector<16xf32>
      %get3A_279 = arith.index_cast %add3A_236 : i32 to index
      %get3A_280 = arith.constant 112 : index
      %get3A_281 = tpu.vector_load %arg12[%get3A_279, %get3A_280] {strides = array<i32>} : memref<320x128xf32, #tpu.memory_space<vmem>>, vector<1x16xf32>,
      %get3A_282 = vector.shape_cast %get3A_281 : vector<1x16xf32> to vector<16xf32>
      %mul3A_283 = arith.mulf %broadcast_in_dim3A_232, %get3A_282 : vector<16xf32>
      %add3A_284 = arith.addf %add3A_229, %mul3A_283 : vector<16xf32>
      %slice3A_285 = vector.extract_strided_slice %get3A_121 {offsets = [3], sizes = [1], strides = [1]} : vector<16xf32> to vector<1xf32>
      %squeeze3A_286 = vector.extract %slice3A_285[0] : f32 from vector<1xf32>
      %broadcast_in_dim3A_287 = vector.broadcast %squeeze3A_286 : f32 to vector<16xf32>
      %mul3A_288 = arith.constant 16 : i32
      %mul3A_289 = arith.muli %scan3A_109, %mul3A_288 : i32
      %add3A_290 = arith.constant 3 : i32
      %add3A_291 = arith.addi %mul3A_289, %add3A_290 : i32
      %get3A_292 = arith.index_cast %add3A_291 : i32 to index
      %get3A_293 = arith.constant 0 : index
      %get3A_294 = tpu.vector_load %arg12[%get3A_292, %get3A_293] {strides = array<i32>} : memref<320x128xf32, #tpu.memory_space<vmem>>, vector<1x16xf32>,
      %get3A_295 = vector.shape_cast %get3A_294 : vector<1x16xf32> to vector<16xf32>
      %mul3A_296 = arith.mulf %broadcast_in_dim3A_287, %get3A_295 : vector<16xf32>
      %add3A_297 = arith.addf %add3A_242, %mul3A_296 : vector<16xf32>
      %get3A_298 = arith.index_cast %add3A_291 : i32 to index
      %get3A_299 = arith.constant 16 : index
      %get3A_300 = tpu.vector_load %arg12[%get3A_298, %get3A_299] {strides = array<i32>} : memref<320x128xf32, #tpu.memory_space<vmem>>, vector<1x16xf32>,
      %get3A_301 = vector.shape_cast %get3A_300 : vector<1x16xf32> to vector<16xf32>
      %mul3A_302 = arith.mulf %broadcast_in_dim3A_287, %get3A_301 : vector<16xf32>
      %add3A_303 = arith.addf %add3A_248, %mul3A_302 : vector<16xf32>
      %get3A_304 = arith.index_cast %add3A_291 : i32 to index
      %get3A_305 = arith.constant 32 : index
      %get3A_306 = tpu.vector_load %arg12[%get3A_304, %get3A_305] {strides = array<i32>} : memref<320x128xf32, #tpu.memory_space<vmem>>, vector<1x16xf32>,
      %get3A_307 = vector.shape_cast %get3A_306 : vector<1x16xf32> to vector<16xf32>
      %mul3A_308 = arith.mulf %broadcast_in_dim3A_287, %get3A_307 : vector<16xf32>
      %add3A_309 = arith.addf %add3A_254, %mul3A_308 : vector<16xf32>
      %get3A_310 = arith.index_cast %add3A_291 : i32 to index
      %get3A_311 = arith.constant 48 : index
      %get3A_312 = tpu.vector_load %arg12[%get3A_310, %get3A_311] {strides = array<i32>} : memref<320x128xf32, #tpu.memory_space<vmem>>, vector<1x16xf32>,
      %get3A_313 = vector.shape_cast %get3A_312 : vector<1x16xf32> to vector<16xf32>
      %mul3A_314 = arith.mulf %broadcast_in_dim3A_287, %get3A_313 : vector<16xf32>
      %add3A_315 = arith.addf %add3A_260, %mul3A_314 : vector<16xf32>
      %get3A_316 = arith.index_cast %add3A_291 : i32 to index
      %get3A_317 = arith.constant 64 : index
      %get3A_318 = tpu.vector_load %arg12[%get3A_316, %get3A_317] {strides = array<i32>} : memref<320x128xf32, #tpu.memory_space<vmem>>, vector<1x16xf32>,
      %get3A_319 = vector.shape_cast %get3A_318 : vector<1x16xf32> to vector<16xf32>
      %mul3A_320 = arith.mulf %broadcast_in_dim3A_287, %get3A_319 : vector<16xf32>
      %add3A_321 = arith.addf %add3A_266, %mul3A_320 : vector<16xf32>
      %get3A_322 = arith.index_cast %add3A_291 : i32 to index
      %get3A_323 = arith.constant 80 : index
      %get3A_324 = tpu.vector_load %arg12[%get3A_322, %get3A_323] {strides = array<i32>} : memref<320x128xf32, #tpu.memory_space<vmem>>, vector<1x16xf32>,
      %get3A_325 = vector.shape_cast %get3A_324 : vector<1x16xf32> to vector<16xf32>
      %mul3A_326 = arith.mulf %broadcast_in_dim3A_287, %get3A_325 : vector<16xf32>
      %add3A_327 = arith.addf %add3A_272, %mul3A_326 : vector<16xf32>
      %get3A_328 = arith.index_cast %add3A_291 : i32 to index
      %get3A_329 = arith.constant 96 : index
      %get3A_330 = tpu.vector_load %arg12[%get3A_328, %get3A_329] {strides = array<i32>} : memref<320x128xf32, #tpu.memory_space<vmem>>, vector<1x16xf32>,
      %get3A_331 = vector.shape_cast %get3A_330 : vector<1x16xf32> to vector<16xf32>
      %mul3A_332 = arith.mulf %broadcast_in_dim3A_287, %get3A_331 : vector<16xf32>
      %add3A_333 = arith.addf %add3A_278, %mul3A_332 : vector<16xf32>
      %get3A_334 = arith.index_cast %add3A_291 : i32 to index
      %get3A_335 = arith.constant 112 : index
      %get3A_336 = tpu.vector_load %arg12[%get3A_334, %get3A_335] {strides = array<i32>} : memref<320x128xf32, #tpu.memory_space<vmem>>, vector<1x16xf32>,
      %get3A_337 = vector.shape_cast %get3A_336 : vector<1x16xf32> to vector<16xf32>
      %mul3A_338 = arith.mulf %broadcast_in_dim3A_287, %get3A_337 : vector<16xf32>
      %add3A_339 = arith.addf %add3A_284, %mul3A_338 : vector<16xf32>
      %slice3A_340 = vector.extract_strided_slice %get3A_121 {offsets = [4], sizes = [1], strides = [1]} : vector<16xf32> to vector<1xf32>
      %squeeze3A_341 = vector.extract %slice3A_340[0] : f32 from vector<1xf32>
      %broadcast_in_dim3A_342 = vector.broadcast %squeeze3A_341 : f32 to vector<16xf32>
      %mul3A_343 = arith.constant 16 : i32
      %mul3A_344 = arith.muli %scan3A_109, %mul3A_343 : i32
      %add3A_345 = arith.constant 4 : i32
      %add3A_346 = arith.addi %mul3A_344, %add3A_345 : i32
      %get3A_347 = arith.index_cast %add3A_346 : i32 to index
      %get3A_348 = arith.constant 0 : index
      %get3A_349 = tpu.vector_load %arg12[%get3A_347, %get3A_348] {strides = array<i32>} : memref<320x128xf32, #tpu.memory_space<vmem>>, vector<1x16xf32>,
      %get3A_350 = vector.shape_cast %get3A_349 : vector<1x16xf32> to vector<16xf32>
      %mul3A_351 = arith.mulf %broadcast_in_dim3A_342, %get3A_350 : vector<16xf32>
      %add3A_352 = arith.addf %add3A_297, %mul3A_351 : vector<16xf32>
      %get3A_353 = arith.index_cast %add3A_346 : i32 to index
      %get3A_354 = arith.constant 16 : index
      %get3A_355 = tpu.vector_load %arg12[%get3A_353, %get3A_354] {strides = array<i32>} : memref<320x128xf32, #tpu.memory_space<vmem>>, vector<1x16xf32>,
      %get3A_356 = vector.shape_cast %get3A_355 : vector<1x16xf32> to vector<16xf32>
      %mul3A_357 = arith.mulf %broadcast_in_dim3A_342, %get3A_356 : vector<16xf32>
      %add3A_358 = arith.addf %add3A_303, %mul3A_357 : vector<16xf32>
      %get3A_359 = arith.index_cast %add3A_346 : i32 to index
      %get3A_360 = arith.constant 32 : index
      %get3A_361 = tpu.vector_load %arg12[%get3A_359, %get3A_360] {strides = array<i32>} : memref<320x128xf32, #tpu.memory_space<vmem>>, vector<1x16xf32>,
      %get3A_362 = vector.shape_cast %get3A_361 : vector<1x16xf32> to vector<16xf32>
      %mul3A_363 = arith.mulf %broadcast_in_dim3A_342, %get3A_362 : vector<16xf32>
      %add3A_364 = arith.addf %add3A_309, %mul3A_363 : vector<16xf32>
      %get3A_365 = arith.index_cast %add3A_346 : i32 to index
      %get3A_366 = arith.constant 48 : index
      %get3A_367 = tpu.vector_load %arg12[%get3A_365, %get3A_366] {strides = array<i32>} : memref<320x128xf32, #tpu.memory_space<vmem>>, vector<1x16xf32>,
      %get3A_368 = vector.shape_cast %get3A_367 : vector<1x16xf32> to vector<16xf32>
      %mul3A_369 = arith.mulf %broadcast_in_dim3A_342, %get3A_368 : vector<16xf32>
      %add3A_370 = arith.addf %add3A_315, %mul3A_369 : vector<16xf32>
      %get3A_371 = arith.index_cast %add3A_346 : i32 to index
      %get3A_372 = arith.constant 64 : index
      %get3A_373 = tpu.vector_load %arg12[%get3A_371, %get3A_372] {strides = array<i32>} : memref<320x128xf32, #tpu.memory_space<vmem>>, vector<1x16xf32>,
      %get3A_374 = vector.shape_cast %get3A_373 : vector<1x16xf32> to vector<16xf32>
      %mul3A_375 = arith.mulf %broadcast_in_dim3A_342, %get3A_374 : vector<16xf32>
      %add3A_376 = arith.addf %add3A_321, %mul3A_375 : vector<16xf32>
      %get3A_377 = arith.index_cast %add3A_346 : i32 to index
      %get3A_378 = arith.constant 80 : index
      %get3A_379 = tpu.vector_load %arg12[%get3A_377, %get3A_378] {strides = array<i32>} : memref<320x128xf32, #tpu.memory_space<vmem>>, vector<1x16xf32>,
      %get3A_380 = vector.shape_cast %get3A_379 : vector<1x16xf32> to vector<16xf32>
      %mul3A_381 = arith.mulf %broadcast_in_dim3A_342, %get3A_380 : vector<16xf32>
      %add3A_382 = arith.addf %add3A_327, %mul3A_381 : vector<16xf32>
      %get3A_383 = arith.index_cast %add3A_346 : i32 to index
      %get3A_384 = arith.constant 96 : index
      %get3A_385 = tpu.vector_load %arg12[%get3A_383, %get3A_384] {strides = array<i32>} : memref<320x128xf32, #tpu.memory_space<vmem>>, vector<1x16xf32>,
      %get3A_386 = vector.shape_cast %get3A_385 : vector<1x16xf32> to vector<16xf32>
      %mul3A_387 = arith.mulf %broadcast_in_dim3A_342, %get3A_386 : vector<16xf32>
      %add3A_388 = arith.addf %add3A_333, %mul3A_387 : vector<16xf32>
      %get3A_389 = arith.index_cast %add3A_346 : i32 to index
      %get3A_390 = arith.constant 112 : index
      %get3A_391 = tpu.vector_load %arg12[%get3A_389, %get3A_390] {strides = array<i32>} : memref<320x128xf32, #tpu.memory_space<vmem>>, vector<1x16xf32>,
      %get3A_392 = vector.shape_cast %get3A_391 : vector<1x16xf32> to vector<16xf32>
      %mul3A_393 = arith.mulf %broadcast_in_dim3A_342, %get3A_392 : vector<16xf32>
      %add3A_394 = arith.addf %add3A_339, %mul3A_393 : vector<16xf32>
      %slice3A_395 = vector.extract_strided_slice %get3A_121 {offsets = [5], sizes = [1], strides = [1]} : vector<16xf32> to vector<1xf32>
      %squeeze3A_396 = vector.extract %slice3A_395[0] : f32 from vector<1xf32>
      %broadcast_in_dim3A_397 = vector.broadcast %squeeze3A_396 : f32 to vector<16xf32>
      %mul3A_398 = arith.constant 16 : i32
      %mul3A_399 = arith.muli %scan3A_109, %mul3A_398 : i32
      %add3A_400 = arith.constant 5 : i32
      %add3A_401 = arith.addi %mul3A_399, %add3A_400 : i32
      %get3A_402 = arith.index_cast %add3A_401 : i32 to index
      %get3A_403 = arith.constant 0 : index
      %get3A_404 = tpu.vector_load %arg12[%get3A_402, %get3A_403] {strides = array<i32>} : memref<320x128xf32, #tpu.memory_space<vmem>>, vector<1x16xf32>,
      %get3A_405 = vector.shape_cast %get3A_404 : vector<1x16xf32> to vector<16xf32>
      %mul3A_406 = arith.mulf %broadcast_in_dim3A_397, %get3A_405 : vector<16xf32>
      %add3A_407 = arith.addf %add3A_352, %mul3A_406 : vector<16xf32>
      %get3A_408 = arith.index_cast %add3A_401 : i32 to index
      %get3A_409 = arith.constant 16 : index
      %get3A_410 = tpu.vector_load %arg12[%get3A_408, %get3A_409] {strides = array<i32>} : memref<320x128xf32, #tpu.memory_space<vmem>>, vector<1x16xf32>,
      %get3A_411 = vector.shape_cast %get3A_410 : vector<1x16xf32> to vector<16xf32>
      %mul3A_412 = arith.mulf %broadcast_in_dim3A_397, %get3A_411 : vector<16xf32>
      %add3A_413 = arith.addf %add3A_358, %mul3A_412 : vector<16xf32>
      %get3A_414 = arith.index_cast %add3A_401 : i32 to index
      %get3A_415 = arith.constant 32 : index
      %get3A_416 = tpu.vector_load %arg12[%get3A_414, %get3A_415] {strides = array<i32>} : memref<320x128xf32, #tpu.memory_space<vmem>>, vector<1x16xf32>,
      %get3A_417 = vector.shape_cast %get3A_416 : vector<1x16xf32> to vector<16xf32>
      %mul3A_418 = arith.mulf %broadcast_in_dim3A_397, %get3A_417 : vector<16xf32>
      %add3A_419 = arith.addf %add3A_364, %mul3A_418 : vector<16xf32>
      %get3A_420 = arith.index_cast %add3A_401 : i32 to index
      %get3A_421 = arith.constant 48 : index
      %get3A_422 = tpu.vector_load %arg12[%get3A_420, %get3A_421] {strides = array<i32>} : memref<320x128xf32, #tpu.memory_space<vmem>>, vector<1x16xf32>,
      %get3A_423 = vector.shape_cast %get3A_422 : vector<1x16xf32> to vector<16xf32>
      %mul3A_424 = arith.mulf %broadcast_in_dim3A_397, %get3A_423 : vector<16xf32>
      %add3A_425 = arith.addf %add3A_370, %mul3A_424 : vector<16xf32>
      %get3A_426 = arith.index_cast %add3A_401 : i32 to index
      %get3A_427 = arith.constant 64 : index
      %get3A_428 = tpu.vector_load %arg12[%get3A_426, %get3A_427] {strides = array<i32>} : memref<320x128xf32, #tpu.memory_space<vmem>>, vector<1x16xf32>,
      %get3A_429 = vector.shape_cast %get3A_428 : vector<1x16xf32> to vector<16xf32>
      %mul3A_430 = arith.mulf %broadcast_in_dim3A_397, %get3A_429 : vector<16xf32>
      %add3A_431 = arith.addf %add3A_376, %mul3A_430 : vector<16xf32>
      %get3A_432 = arith.index_cast %add3A_401 : i32 to index
      %get3A_433 = arith.constant 80 : index
      %get3A_434 = tpu.vector_load %arg12[%get3A_432, %get3A_433] {strides = array<i32>} : memref<320x128xf32, #tpu.memory_space<vmem>>, vector<1x16xf32>,
      %get3A_435 = vector.shape_cast %get3A_434 : vector<1x16xf32> to vector<16xf32>
      %mul3A_436 = arith.mulf %broadcast_in_dim3A_397, %get3A_435 : vector<16xf32>
      %add3A_437 = arith.addf %add3A_382, %mul3A_436 : vector<16xf32>
      %get3A_438 = arith.index_cast %add3A_401 : i32 to index
      %get3A_439 = arith.constant 96 : index
      %get3A_440 = tpu.vector_load %arg12[%get3A_438, %get3A_439] {strides = array<i32>} : memref<320x128xf32, #tpu.memory_space<vmem>>, vector<1x16xf32>,
      %get3A_441 = vector.shape_cast %get3A_440 : vector<1x16xf32> to vector<16xf32>
      %mul3A_442 = arith.mulf %broadcast_in_dim3A_397, %get3A_441 : vector<16xf32>
      %add3A_443 = arith.addf %add3A_388, %mul3A_442 : vector<16xf32>
      %get3A_444 = arith.index_cast %add3A_401 : i32 to index
      %get3A_445 = arith.constant 112 : index
      %get3A_446 = tpu.vector_load %arg12[%get3A_444, %get3A_445] {strides = array<i32>} : memref<320x128xf32, #tpu.memory_space<vmem>>, vector<1x16xf32>,
      %get3A_447 = vector.shape_cast %get3A_446 : vector<1x16xf32> to vector<16xf32>
      %mul3A_448 = arith.mulf %broadcast_in_dim3A_397, %get3A_447 : vector<16xf32>
      %add3A_449 = arith.addf %add3A_394, %mul3A_448 : vector<16xf32>
      %slice3A_450 = vector.extract_strided_slice %get3A_121 {offsets = [6], sizes = [1], strides = [1]} : vector<16xf32> to vector<1xf32>
      %squeeze3A_451 = vector.extract %slice3A_450[0] : f32 from vector<1xf32>
      %broadcast_in_dim3A_452 = vector.broadcast %squeeze3A_451 : f32 to vector<16xf32>
      %mul3A_453 = arith.constant 16 : i32
      %mul3A_454 = arith.muli %scan3A_109, %mul3A_453 : i32
      %add3A_455 = arith.constant 6 : i32
      %add3A_456 = arith.addi %mul3A_454, %add3A_455 : i32
      %get3A_457 = arith.index_cast %add3A_456 : i32 to index
      %get3A_458 = arith.constant 0 : index
      %get3A_459 = tpu.vector_load %arg12[%get3A_457, %get3A_458] {strides = array<i32>} : memref<320x128xf32, #tpu.memory_space<vmem>>, vector<1x16xf32>,
      %get3A_460 = vector.shape_cast %get3A_459 : vector<1x16xf32> to vector<16xf32>
      %mul3A_461 = arith.mulf %broadcast_in_dim3A_452, %get3A_460 : vector<16xf32>
      %add3A_462 = arith.addf %add3A_407, %mul3A_461 : vector<16xf32>
      %get3A_463 = arith.index_cast %add3A_456 : i32 to index
      %get3A_464 = arith.constant 16 : index
      %get3A_465 = tpu.vector_load %arg12[%get3A_463, %get3A_464] {strides = array<i32>} : memref<320x128xf32, #tpu.memory_space<vmem>>, vector<1x16xf32>,
      %get3A_466 = vector.shape_cast %get3A_465 : vector<1x16xf32> to vector<16xf32>
      %mul3A_467 = arith.mulf %broadcast_in_dim3A_452, %get3A_466 : vector<16xf32>
      %add3A_468 = arith.addf %add3A_413, %mul3A_467 : vector<16xf32>
      %get3A_469 = arith.index_cast %add3A_456 : i32 to index
      %get3A_470 = arith.constant 32 : index
      %get3A_471 = tpu.vector_load %arg12[%get3A_469, %get3A_470] {strides = array<i32>} : memref<320x128xf32, #tpu.memory_space<vmem>>, vector<1x16xf32>,
      %get3A_472 = vector.shape_cast %get3A_471 : vector<1x16xf32> to vector<16xf32>
      %mul3A_473 = arith.mulf %broadcast_in_dim3A_452, %get3A_472 : vector<16xf32>
      %add3A_474 = arith.addf %add3A_419, %mul3A_473 : vector<16xf32>
      %get3A_475 = arith.index_cast %add3A_456 : i32 to index
      %get3A_476 = arith.constant 48 : index
      %get3A_477 = tpu.vector_load %arg12[%get3A_475, %get3A_476] {strides = array<i32>} : memref<320x128xf32, #tpu.memory_space<vmem>>, vector<1x16xf32>,
      %get3A_478 = vector.shape_cast %get3A_477 : vector<1x16xf32> to vector<16xf32>
      %mul3A_479 = arith.mulf %broadcast_in_dim3A_452, %get3A_478 : vector<16xf32>
      %add3A_480 = arith.addf %add3A_425, %mul3A_479 : vector<16xf32>
      %get3A_481 = arith.index_cast %add3A_456 : i32 to index
      %get3A_482 = arith.constant 64 : index
      %get3A_483 = tpu.vector_load %arg12[%get3A_481, %get3A_482] {strides = array<i32>} : memref<320x128xf32, #tpu.memory_space<vmem>>, vector<1x16xf32>,
      %get3A_484 = vector.shape_cast %get3A_483 : vector<1x16xf32> to vector<16xf32>
      %mul3A_485 = arith.mulf %broadcast_in_dim3A_452, %get3A_484 : vector<16xf32>
      %add3A_486 = arith.addf %add3A_431, %mul3A_485 : vector<16xf32>
      %get3A_487 = arith.index_cast %add3A_456 : i32 to index
      %get3A_488 = arith.constant 80 : index
      %get3A_489 = tpu.vector_load %arg12[%get3A_487, %get3A_488] {strides = array<i32>} : memref<320x128xf32, #tpu.memory_space<vmem>>, vector<1x16xf32>,
      %get3A_490 = vector.shape_cast %get3A_489 : vector<1x16xf32> to vector<16xf32>
      %mul3A_491 = arith.mulf %broadcast_in_dim3A_452, %get3A_490 : vector<16xf32>
      %add3A_492 = arith.addf %add3A_437, %mul3A_491 : vector<16xf32>
      %get3A_493 = arith.index_cast %add3A_456 : i32 to index
      %get3A_494 = arith.constant 96 : index
      %get3A_495 = tpu.vector_load %arg12[%get3A_493, %get3A_494] {strides = array<i32>} : memref<320x128xf32, #tpu.memory_space<vmem>>, vector<1x16xf32>,
      %get3A_496 = vector.shape_cast %get3A_495 : vector<1x16xf32> to vector<16xf32>
      %mul3A_497 = arith.mulf %broadcast_in_dim3A_452, %get3A_496 : vector<16xf32>
      %add3A_498 = arith.addf %add3A_443, %mul3A_497 : vector<16xf32>
      %get3A_499 = arith.index_cast %add3A_456 : i32 to index
      %get3A_500 = arith.constant 112 : index
      %get3A_501 = tpu.vector_load %arg12[%get3A_499, %get3A_500] {strides = array<i32>} : memref<320x128xf32, #tpu.memory_space<vmem>>, vector<1x16xf32>,
      %get3A_502 = vector.shape_cast %get3A_501 : vector<1x16xf32> to vector<16xf32>
      %mul3A_503 = arith.mulf %broadcast_in_dim3A_452, %get3A_502 : vector<16xf32>
      %add3A_504 = arith.addf %add3A_449, %mul3A_503 : vector<16xf32>
      %slice3A_505 = vector.extract_strided_slice %get3A_121 {offsets = [7], sizes = [1], strides = [1]} : vector<16xf32> to vector<1xf32>
      %squeeze3A_506 = vector.extract %slice3A_505[0] : f32 from vector<1xf32>
      %broadcast_in_dim3A_507 = vector.broadcast %squeeze3A_506 : f32 to vector<16xf32>
      %mul3A_508 = arith.constant 16 : i32
      %mul3A_509 = arith.muli %scan3A_109, %mul3A_508 : i32
      %add3A_510 = arith.constant 7 : i32
      %add3A_511 = arith.addi %mul3A_509, %add3A_510 : i32
      %get3A_512 = arith.index_cast %add3A_511 : i32 to index
      %get3A_513 = arith.constant 0 : index
      %get3A_514 = tpu.vector_load %arg12[%get3A_512, %get3A_513] {strides = array<i32>} : memref<320x128xf32, #tpu.memory_space<vmem>>, vector<1x16xf32>,
      %get3A_515 = vector.shape_cast %get3A_514 : vector<1x16xf32> to vector<16xf32>
      %mul3A_516 = arith.mulf %broadcast_in_dim3A_507, %get3A_515 : vector<16xf32>
      %add3A_517 = arith.addf %add3A_462, %mul3A_516 : vector<16xf32>
      %get3A_518 = arith.index_cast %add3A_511 : i32 to index
      %get3A_519 = arith.constant 16 : index
      %get3A_520 = tpu.vector_load %arg12[%get3A_518, %get3A_519] {strides = array<i32>} : memref<320x128xf32, #tpu.memory_space<vmem>>, vector<1x16xf32>,
      %get3A_521 = vector.shape_cast %get3A_520 : vector<1x16xf32> to vector<16xf32>
      %mul3A_522 = arith.mulf %broadcast_in_dim3A_507, %get3A_521 : vector<16xf32>
      %add3A_523 = arith.addf %add3A_468, %mul3A_522 : vector<16xf32>
      %get3A_524 = arith.index_cast %add3A_511 : i32 to index
      %get3A_525 = arith.constant 32 : index
      %get3A_526 = tpu.vector_load %arg12[%get3A_524, %get3A_525] {strides = array<i32>} : memref<320x128xf32, #tpu.memory_space<vmem>>, vector<1x16xf32>,
      %get3A_527 = vector.shape_cast %get3A_526 : vector<1x16xf32> to vector<16xf32>
      %mul3A_528 = arith.mulf %broadcast_in_dim3A_507, %get3A_527 : vector<16xf32>
      %add3A_529 = arith.addf %add3A_474, %mul3A_528 : vector<16xf32>
      %get3A_530 = arith.index_cast %add3A_511 : i32 to index
      %get3A_531 = arith.constant 48 : index
      %get3A_532 = tpu.vector_load %arg12[%get3A_530, %get3A_531] {strides = array<i32>} : memref<320x128xf32, #tpu.memory_space<vmem>>, vector<1x16xf32>,
      %get3A_533 = vector.shape_cast %get3A_532 : vector<1x16xf32> to vector<16xf32>
      %mul3A_534 = arith.mulf %broadcast_in_dim3A_507, %get3A_533 : vector<16xf32>
      %add3A_535 = arith.addf %add3A_480, %mul3A_534 : vector<16xf32>
      %get3A_536 = arith.index_cast %add3A_511 : i32 to index
      %get3A_537 = arith.constant 64 : index
      %get3A_538 = tpu.vector_load %arg12[%get3A_536, %get3A_537] {strides = array<i32>} : memref<320x128xf32, #tpu.memory_space<vmem>>, vector<1x16xf32>,
      %get3A_539 = vector.shape_cast %get3A_538 : vector<1x16xf32> to vector<16xf32>
      %mul3A_540 = arith.mulf %broadcast_in_dim3A_507, %get3A_539 : vector<16xf32>
      %add3A_541 = arith.addf %add3A_486, %mul3A_540 : vector<16xf32>
      %get3A_542 = arith.index_cast %add3A_511 : i32 to index
      %get3A_543 = arith.constant 80 : index
      %get3A_544 = tpu.vector_load %arg12[%get3A_542, %get3A_543] {strides = array<i32>} : memref<320x128xf32, #tpu.memory_space<vmem>>, vector<1x16xf32>,
      %get3A_545 = vector.shape_cast %get3A_544 : vector<1x16xf32> to vector<16xf32>
      %mul3A_546 = arith.mulf %broadcast_in_dim3A_507, %get3A_545 : vector<16xf32>
      %add3A_547 = arith.addf %add3A_492, %mul3A_546 : vector<16xf32>
      %get3A_548 = arith.index_cast %add3A_511 : i32 to index
      %get3A_549 = arith.constant 96 : index
      %get3A_550 = tpu.vector_load %arg12[%get3A_548, %get3A_549] {strides = array<i32>} : memref<320x128xf32, #tpu.memory_space<vmem>>, vector<1x16xf32>,
      %get3A_551 = vector.shape_cast %get3A_550 : vector<1x16xf32> to vector<16xf32>
      %mul3A_552 = arith.mulf %broadcast_in_dim3A_507, %get3A_551 : vector<16xf32>
      %add3A_553 = arith.addf %add3A_498, %mul3A_552 : vector<16xf32>
      %get3A_554 = arith.index_cast %add3A_511 : i32 to index
      %get3A_555 = arith.constant 112 : index
      %get3A_556 = tpu.vector_load %arg12[%get3A_554, %get3A_555] {strides = array<i32>} : memref<320x128xf32, #tpu.memory_space<vmem>>, vector<1x16xf32>,
      %get3A_557 = vector.shape_cast %get3A_556 : vector<1x16xf32> to vector<16xf32>
      %mul3A_558 = arith.mulf %broadcast_in_dim3A_507, %get3A_557 : vector<16xf32>
      %add3A_559 = arith.addf %add3A_504, %mul3A_558 : vector<16xf32>
      %slice3A_560 = vector.extract_strided_slice %get3A_121 {offsets = [8], sizes = [1], strides = [1]} : vector<16xf32> to vector<1xf32>
      %squeeze3A_561 = vector.extract %slice3A_560[0] : f32 from vector<1xf32>
      %broadcast_in_dim3A_562 = vector.broadcast %squeeze3A_561 : f32 to vector<16xf32>
      %mul3A_563 = arith.constant 16 : i32
      %mul3A_564 = arith.muli %scan3A_109, %mul3A_563 : i32
      %add3A_565 = arith.constant 8 : i32
      %add3A_566 = arith.addi %mul3A_564, %add3A_565 : i32
      %get3A_567 = arith.index_cast %add3A_566 : i32 to index
      %get3A_568 = arith.constant 0 : index
      %get3A_569 = tpu.vector_load %arg12[%get3A_567, %get3A_568] {strides = array<i32>} : memref<320x128xf32, #tpu.memory_space<vmem>>, vector<1x16xf32>,
      %get3A_570 = vector.shape_cast %get3A_569 : vector<1x16xf32> to vector<16xf32>
      %mul3A_571 = arith.mulf %broadcast_in_dim3A_562, %get3A_570 : vector<16xf32>
      %add3A_572 = arith.addf %add3A_517, %mul3A_571 : vector<16xf32>
      %get3A_573 = arith.index_cast %add3A_566 : i32 to index
      %get3A_574 = arith.constant 16 : index
      %get3A_575 = tpu.vector_load %arg12[%get3A_573, %get3A_574] {strides = array<i32>} : memref<320x128xf32, #tpu.memory_space<vmem>>, vector<1x16xf32>,
      %get3A_576 = vector.shape_cast %get3A_575 : vector<1x16xf32> to vector<16xf32>
      %mul3A_577 = arith.mulf %broadcast_in_dim3A_562, %get3A_576 : vector<16xf32>
      %add3A_578 = arith.addf %add3A_523, %mul3A_577 : vector<16xf32>
      %get3A_579 = arith.index_cast %add3A_566 : i32 to index
      %get3A_580 = arith.constant 32 : index
      %get3A_581 = tpu.vector_load %arg12[%get3A_579, %get3A_580] {strides = array<i32>} : memref<320x128xf32, #tpu.memory_space<vmem>>, vector<1x16xf32>,
      %get3A_582 = vector.shape_cast %get3A_581 : vector<1x16xf32> to vector<16xf32>
      %mul3A_583 = arith.mulf %broadcast_in_dim3A_562, %get3A_582 : vector<16xf32>
      %add3A_584 = arith.addf %add3A_529, %mul3A_583 : vector<16xf32>
      %get3A_585 = arith.index_cast %add3A_566 : i32 to index
      %get3A_586 = arith.constant 48 : index
      %get3A_587 = tpu.vector_load %arg12[%get3A_585, %get3A_586] {strides = array<i32>} : memref<320x128xf32, #tpu.memory_space<vmem>>, vector<1x16xf32>,
      %get3A_588 = vector.shape_cast %get3A_587 : vector<1x16xf32> to vector<16xf32>
      %mul3A_589 = arith.mulf %broadcast_in_dim3A_562, %get3A_588 : vector<16xf32>
      %add3A_590 = arith.addf %add3A_535, %mul3A_589 : vector<16xf32>
      %get3A_591 = arith.index_cast %add3A_566 : i32 to index
      %get3A_592 = arith.constant 64 : index
      %get3A_593 = tpu.vector_load %arg12[%get3A_591, %get3A_592] {strides = array<i32>} : memref<320x128xf32, #tpu.memory_space<vmem>>, vector<1x16xf32>,
      %get3A_594 = vector.shape_cast %get3A_593 : vector<1x16xf32> to vector<16xf32>
      %mul3A_595 = arith.mulf %broadcast_in_dim3A_562, %get3A_594 : vector<16xf32>
      %add3A_596 = arith.addf %add3A_541, %mul3A_595 : vector<16xf32>
      %get3A_597 = arith.index_cast %add3A_566 : i32 to index
      %get3A_598 = arith.constant 80 : index
      %get3A_599 = tpu.vector_load %arg12[%get3A_597, %get3A_598] {strides = array<i32>} : memref<320x128xf32, #tpu.memory_space<vmem>>, vector<1x16xf32>,
      %get3A_600 = vector.shape_cast %get3A_599 : vector<1x16xf32> to vector<16xf32>
      %mul3A_601 = arith.mulf %broadcast_in_dim3A_562, %get3A_600 : vector<16xf32>
      %add3A_602 = arith.addf %add3A_547, %mul3A_601 : vector<16xf32>
      %get3A_603 = arith.index_cast %add3A_566 : i32 to index
      %get3A_604 = arith.constant 96 : index
      %get3A_605 = tpu.vector_load %arg12[%get3A_603, %get3A_604] {strides = array<i32>} : memref<320x128xf32, #tpu.memory_space<vmem>>, vector<1x16xf32>,
      %get3A_606 = vector.shape_cast %get3A_605 : vector<1x16xf32> to vector<16xf32>
      %mul3A_607 = arith.mulf %broadcast_in_dim3A_562, %get3A_606 : vector<16xf32>
      %add3A_608 = arith.addf %add3A_553, %mul3A_607 : vector<16xf32>
      %get3A_609 = arith.index_cast %add3A_566 : i32 to index
      %get3A_610 = arith.constant 112 : index
      %get3A_611 = tpu.vector_load %arg12[%get3A_609, %get3A_610] {strides = array<i32>} : memref<320x128xf32, #tpu.memory_space<vmem>>, vector<1x16xf32>,
      %get3A_612 = vector.shape_cast %get3A_611 : vector<1x16xf32> to vector<16xf32>
      %mul3A_613 = arith.mulf %broadcast_in_dim3A_562, %get3A_612 : vector<16xf32>
      %add3A_614 = arith.addf %add3A_559, %mul3A_613 : vector<16xf32>
      %slice3A_615 = vector.extract_strided_slice %get3A_121 {offsets = [9], sizes = [1], strides = [1]} : vector<16xf32> to vector<1xf32>
      %squeeze3A_616 = vector.extract %slice3A_615[0] : f32 from vector<1xf32>
      %broadcast_in_dim3A_617 = vector.broadcast %squeeze3A_616 : f32 to vector<16xf32>
      %mul3A_618 = arith.constant 16 : i32
      %mul3A_619 = arith.muli %scan3A_109, %mul3A_618 : i32
      %add3A_620 = arith.constant 9 : i32
      %add3A_621 = arith.addi %mul3A_619, %add3A_620 : i32
      %get3A_622 = arith.index_cast %add3A_621 : i32 to index
      %get3A_623 = arith.constant 0 : index
      %get3A_624 = tpu.vector_load %arg12[%get3A_622, %get3A_623] {strides = array<i32>} : memref<320x128xf32, #tpu.memory_space<vmem>>, vector<1x16xf32>,
      %get3A_625 = vector.shape_cast %get3A_624 : vector<1x16xf32> to vector<16xf32>
      %mul3A_626 = arith.mulf %broadcast_in_dim3A_617, %get3A_625 : vector<16xf32>
      %add3A_627 = arith.addf %add3A_572, %mul3A_626 : vector<16xf32>
      %get3A_628 = arith.index_cast %add3A_621 : i32 to index
      %get3A_629 = arith.constant 16 : index
      %get3A_630 = tpu.vector_load %arg12[%get3A_628, %get3A_629] {strides = array<i32>} : memref<320x128xf32, #tpu.memory_space<vmem>>, vector<1x16xf32>,
      %get3A_631 = vector.shape_cast %get3A_630 : vector<1x16xf32> to vector<16xf32>
      %mul3A_632 = arith.mulf %broadcast_in_dim3A_617, %get3A_631 : vector<16xf32>
      %add3A_633 = arith.addf %add3A_578, %mul3A_632 : vector<16xf32>
      %get3A_634 = arith.index_cast %add3A_621 : i32 to index
      %get3A_635 = arith.constant 32 : index
      %get3A_636 = tpu.vector_load %arg12[%get3A_634, %get3A_635] {strides = array<i32>} : memref<320x128xf32, #tpu.memory_space<vmem>>, vector<1x16xf32>,
      %get3A_637 = vector.shape_cast %get3A_636 : vector<1x16xf32> to vector<16xf32>
      %mul3A_638 = arith.mulf %broadcast_in_dim3A_617, %get3A_637 : vector<16xf32>
      %add3A_639 = arith.addf %add3A_584, %mul3A_638 : vector<16xf32>
      %get3A_640 = arith.index_cast %add3A_621 : i32 to index
      %get3A_641 = arith.constant 48 : index
      %get3A_642 = tpu.vector_load %arg12[%get3A_640, %get3A_641] {strides = array<i32>} : memref<320x128xf32, #tpu.memory_space<vmem>>, vector<1x16xf32>,
      %get3A_643 = vector.shape_cast %get3A_642 : vector<1x16xf32> to vector<16xf32>
      %mul3A_644 = arith.mulf %broadcast_in_dim3A_617, %get3A_643 : vector<16xf32>
      %add3A_645 = arith.addf %add3A_590, %mul3A_644 : vector<16xf32>
      %get3A_646 = arith.index_cast %add3A_621 : i32 to index
      %get3A_647 = arith.constant 64 : index
      %get3A_648 = tpu.vector_load %arg12[%get3A_646, %get3A_647] {strides = array<i32>} : memref<320x128xf32, #tpu.memory_space<vmem>>, vector<1x16xf32>,
      %get3A_649 = vector.shape_cast %get3A_648 : vector<1x16xf32> to vector<16xf32>
      %mul3A_650 = arith.mulf %broadcast_in_dim3A_617, %get3A_649 : vector<16xf32>
      %add3A_651 = arith.addf %add3A_596, %mul3A_650 : vector<16xf32>
      %get3A_652 = arith.index_cast %add3A_621 : i32 to index
      %get3A_653 = arith.constant 80 : index
      %get3A_654 = tpu.vector_load %arg12[%get3A_652, %get3A_653] {strides = array<i32>} : memref<320x128xf32, #tpu.memory_space<vmem>>, vector<1x16xf32>,
      %get3A_655 = vector.shape_cast %get3A_654 : vector<1x16xf32> to vector<16xf32>
      %mul3A_656 = arith.mulf %broadcast_in_dim3A_617, %get3A_655 : vector<16xf32>
      %add3A_657 = arith.addf %add3A_602, %mul3A_656 : vector<16xf32>
      %get3A_658 = arith.index_cast %add3A_621 : i32 to index
      %get3A_659 = arith.constant 96 : index
      %get3A_660 = tpu.vector_load %arg12[%get3A_658, %get3A_659] {strides = array<i32>} : memref<320x128xf32, #tpu.memory_space<vmem>>, vector<1x16xf32>,
      %get3A_661 = vector.shape_cast %get3A_660 : vector<1x16xf32> to vector<16xf32>
      %mul3A_662 = arith.mulf %broadcast_in_dim3A_617, %get3A_661 : vector<16xf32>
      %add3A_663 = arith.addf %add3A_608, %mul3A_662 : vector<16xf32>
      %get3A_664 = arith.index_cast %add3A_621 : i32 to index
      %get3A_665 = arith.constant 112 : index
      %get3A_666 = tpu.vector_load %arg12[%get3A_664, %get3A_665] {strides = array<i32>} : memref<320x128xf32, #tpu.memory_space<vmem>>, vector<1x16xf32>,
      %get3A_667 = vector.shape_cast %get3A_666 : vector<1x16xf32> to vector<16xf32>
      %mul3A_668 = arith.mulf %broadcast_in_dim3A_617, %get3A_667 : vector<16xf32>
      %add3A_669 = arith.addf %add3A_614, %mul3A_668 : vector<16xf32>
      %slice3A_670 = vector.extract_strided_slice %get3A_121 {offsets = [10], sizes = [1], strides = [1]} : vector<16xf32> to vector<1xf32>
      %squeeze3A_671 = vector.extract %slice3A_670[0] : f32 from vector<1xf32>
      %broadcast_in_dim3A_672 = vector.broadcast %squeeze3A_671 : f32 to vector<16xf32>
      %mul3A_673 = arith.constant 16 : i32
      %mul3A_674 = arith.muli %scan3A_109, %mul3A_673 : i32
      %add3A_675 = arith.constant 10 : i32
      %add3A_676 = arith.addi %mul3A_674, %add3A_675 : i32
      %get3A_677 = arith.index_cast %add3A_676 : i32 to index
      %get3A_678 = arith.constant 0 : index
      %get3A_679 = tpu.vector_load %arg12[%get3A_677, %get3A_678] {strides = array<i32>} : memref<320x128xf32, #tpu.memory_space<vmem>>, vector<1x16xf32>,
      %get3A_680 = vector.shape_cast %get3A_679 : vector<1x16xf32> to vector<16xf32>
      %mul3A_681 = arith.mulf %broadcast_in_dim3A_672, %get3A_680 : vector<16xf32>
      %add3A_682 = arith.addf %add3A_627, %mul3A_681 : vector<16xf32>
      %get3A_683 = arith.index_cast %add3A_676 : i32 to index
      %get3A_684 = arith.constant 16 : index
      %get3A_685 = tpu.vector_load %arg12[%get3A_683, %get3A_684] {strides = array<i32>} : memref<320x128xf32, #tpu.memory_space<vmem>>, vector<1x16xf32>,
      %get3A_686 = vector.shape_cast %get3A_685 : vector<1x16xf32> to vector<16xf32>
      %mul3A_687 = arith.mulf %broadcast_in_dim3A_672, %get3A_686 : vector<16xf32>
      %add3A_688 = arith.addf %add3A_633, %mul3A_687 : vector<16xf32>
      %get3A_689 = arith.index_cast %add3A_676 : i32 to index
      %get3A_690 = arith.constant 32 : index
      %get3A_691 = tpu.vector_load %arg12[%get3A_689, %get3A_690] {strides = array<i32>} : memref<320x128xf32, #tpu.memory_space<vmem>>, vector<1x16xf32>,
      %get3A_692 = vector.shape_cast %get3A_691 : vector<1x16xf32> to vector<16xf32>
      %mul3A_693 = arith.mulf %broadcast_in_dim3A_672, %get3A_692 : vector<16xf32>
      %add3A_694 = arith.addf %add3A_639, %mul3A_693 : vector<16xf32>
      %get3A_695 = arith.index_cast %add3A_676 : i32 to index
      %get3A_696 = arith.constant 48 : index
      %get3A_697 = tpu.vector_load %arg12[%get3A_695, %get3A_696] {strides = array<i32>} : memref<320x128xf32, #tpu.memory_space<vmem>>, vector<1x16xf32>,
      %get3A_698 = vector.shape_cast %get3A_697 : vector<1x16xf32> to vector<16xf32>
      %mul3A_699 = arith.mulf %broadcast_in_dim3A_672, %get3A_698 : vector<16xf32>
      %add3A_700 = arith.addf %add3A_645, %mul3A_699 : vector<16xf32>
      %get3A_701 = arith.index_cast %add3A_676 : i32 to index
      %get3A_702 = arith.constant 64 : index
      %get3A_703 = tpu.vector_load %arg12[%get3A_701, %get3A_702] {strides = array<i32>} : memref<320x128xf32, #tpu.memory_space<vmem>>, vector<1x16xf32>,
      %get3A_704 = vector.shape_cast %get3A_703 : vector<1x16xf32> to vector<16xf32>
      %mul3A_705 = arith.mulf %broadcast_in_dim3A_672, %get3A_704 : vector<16xf32>
      %add3A_706 = arith.addf %add3A_651, %mul3A_705 : vector<16xf32>
      %get3A_707 = arith.index_cast %add3A_676 : i32 to index
      %get3A_708 = arith.constant 80 : index
      %get3A_709 = tpu.vector_load %arg12[%get3A_707, %get3A_708] {strides = array<i32>} : memref<320x128xf32, #tpu.memory_space<vmem>>, vector<1x16xf32>,
      %get3A_710 = vector.shape_cast %get3A_709 : vector<1x16xf32> to vector<16xf32>
      %mul3A_711 = arith.mulf %broadcast_in_dim3A_672, %get3A_710 : vector<16xf32>
      %add3A_712 = arith.addf %add3A_657, %mul3A_711 : vector<16xf32>
      %get3A_713 = arith.index_cast %add3A_676 : i32 to index
      %get3A_714 = arith.constant 96 : index
      %get3A_715 = tpu.vector_load %arg12[%get3A_713, %get3A_714] {strides = array<i32>} : memref<320x128xf32, #tpu.memory_space<vmem>>, vector<1x16xf32>,
      %get3A_716 = vector.shape_cast %get3A_715 : vector<1x16xf32> to vector<16xf32>
      %mul3A_717 = arith.mulf %broadcast_in_dim3A_672, %get3A_716 : vector<16xf32>
      %add3A_718 = arith.addf %add3A_663, %mul3A_717 : vector<16xf32>
      %get3A_719 = arith.index_cast %add3A_676 : i32 to index
      %get3A_720 = arith.constant 112 : index
      %get3A_721 = tpu.vector_load %arg12[%get3A_719, %get3A_720] {strides = array<i32>} : memref<320x128xf32, #tpu.memory_space<vmem>>, vector<1x16xf32>,
      %get3A_722 = vector.shape_cast %get3A_721 : vector<1x16xf32> to vector<16xf32>
      %mul3A_723 = arith.mulf %broadcast_in_dim3A_672, %get3A_722 : vector<16xf32>
      %add3A_724 = arith.addf %add3A_669, %mul3A_723 : vector<16xf32>
      %slice3A_725 = vector.extract_strided_slice %get3A_121 {offsets = [11], sizes = [1], strides = [1]} : vector<16xf32> to vector<1xf32>
      %squeeze3A_726 = vector.extract %slice3A_725[0] : f32 from vector<1xf32>
      %broadcast_in_dim3A_727 = vector.broadcast %squeeze3A_726 : f32 to vector<16xf32>
      %mul3A_728 = arith.constant 16 : i32
      %mul3A_729 = arith.muli %scan3A_109, %mul3A_728 : i32
      %add3A_730 = arith.constant 11 : i32
      %add3A_731 = arith.addi %mul3A_729, %add3A_730 : i32
      %get3A_732 = arith.index_cast %add3A_731 : i32 to index
      %get3A_733 = arith.constant 0 : index
      %get3A_734 = tpu.vector_load %arg12[%get3A_732, %get3A_733] {strides = array<i32>} : memref<320x128xf32, #tpu.memory_space<vmem>>, vector<1x16xf32>,
      %get3A_735 = vector.shape_cast %get3A_734 : vector<1x16xf32> to vector<16xf32>
      %mul3A_736 = arith.mulf %broadcast_in_dim3A_727, %get3A_735 : vector<16xf32>
      %add3A_737 = arith.addf %add3A_682, %mul3A_736 : vector<16xf32>
      %get3A_738 = arith.index_cast %add3A_731 : i32 to index
      %get3A_739 = arith.constant 16 : index
      %get3A_740 = tpu.vector_load %arg12[%get3A_738, %get3A_739] {strides = array<i32>} : memref<320x128xf32, #tpu.memory_space<vmem>>, vector<1x16xf32>,
      %get3A_741 = vector.shape_cast %get3A_740 : vector<1x16xf32> to vector<16xf32>
      %mul3A_742 = arith.mulf %broadcast_in_dim3A_727, %get3A_741 : vector<16xf32>
      %add3A_743 = arith.addf %add3A_688, %mul3A_742 : vector<16xf32>
      %get3A_744 = arith.index_cast %add3A_731 : i32 to index
      %get3A_745 = arith.constant 32 : index
      %get3A_746 = tpu.vector_load %arg12[%get3A_744, %get3A_745] {strides = array<i32>} : memref<320x128xf32, #tpu.memory_space<vmem>>, vector<1x16xf32>,
      %get3A_747 = vector.shape_cast %get3A_746 : vector<1x16xf32> to vector<16xf32>
      %mul3A_748 = arith.mulf %broadcast_in_dim3A_727, %get3A_747 : vector<16xf32>
      %add3A_749 = arith.addf %add3A_694, %mul3A_748 : vector<16xf32>
      %get3A_750 = arith.index_cast %add3A_731 : i32 to index
      %get3A_751 = arith.constant 48 : index
      %get3A_752 = tpu.vector_load %arg12[%get3A_750, %get3A_751] {strides = array<i32>} : memref<320x128xf32, #tpu.memory_space<vmem>>, vector<1x16xf32>,
      %get3A_753 = vector.shape_cast %get3A_752 : vector<1x16xf32> to vector<16xf32>
      %mul3A_754 = arith.mulf %broadcast_in_dim3A_727, %get3A_753 : vector<16xf32>
      %add3A_755 = arith.addf %add3A_700, %mul3A_754 : vector<16xf32>
      %get3A_756 = arith.index_cast %add3A_731 : i32 to index
      %get3A_757 = arith.constant 64 : index
      %get3A_758 = tpu.vector_load %arg12[%get3A_756, %get3A_757] {strides = array<i32>} : memref<320x128xf32, #tpu.memory_space<vmem>>, vector<1x16xf32>,
      %get3A_759 = vector.shape_cast %get3A_758 : vector<1x16xf32> to vector<16xf32>
      %mul3A_760 = arith.mulf %broadcast_in_dim3A_727, %get3A_759 : vector<16xf32>
      %add3A_761 = arith.addf %add3A_706, %mul3A_760 : vector<16xf32>
      %get3A_762 = arith.index_cast %add3A_731 : i32 to index
      %get3A_763 = arith.constant 80 : index
      %get3A_764 = tpu.vector_load %arg12[%get3A_762, %get3A_763] {strides = array<i32>} : memref<320x128xf32, #tpu.memory_space<vmem>>, vector<1x16xf32>,
      %get3A_765 = vector.shape_cast %get3A_764 : vector<1x16xf32> to vector<16xf32>
      %mul3A_766 = arith.mulf %broadcast_in_dim3A_727, %get3A_765 : vector<16xf32>
      %add3A_767 = arith.addf %add3A_712, %mul3A_766 : vector<16xf32>
      %get3A_768 = arith.index_cast %add3A_731 : i32 to index
      %get3A_769 = arith.constant 96 : index
      %get3A_770 = tpu.vector_load %arg12[%get3A_768, %get3A_769] {strides = array<i32>} : memref<320x128xf32, #tpu.memory_space<vmem>>, vector<1x16xf32>,
      %get3A_771 = vector.shape_cast %get3A_770 : vector<1x16xf32> to vector<16xf32>
      %mul3A_772 = arith.mulf %broadcast_in_dim3A_727, %get3A_771 : vector<16xf32>
      %add3A_773 = arith.addf %add3A_718, %mul3A_772 : vector<16xf32>
      %get3A_774 = arith.index_cast %add3A_731 : i32 to index
      %get3A_775 = arith.constant 112 : index
      %get3A_776 = tpu.vector_load %arg12[%get3A_774, %get3A_775] {strides = array<i32>} : memref<320x128xf32, #tpu.memory_space<vmem>>, vector<1x16xf32>,
      %get3A_777 = vector.shape_cast %get3A_776 : vector<1x16xf32> to vector<16xf32>
      %mul3A_778 = arith.mulf %broadcast_in_dim3A_727, %get3A_777 : vector<16xf32>
      %add3A_779 = arith.addf %add3A_724, %mul3A_778 : vector<16xf32>
      %slice3A_780 = vector.extract_strided_slice %get3A_121 {offsets = [12], sizes = [1], strides = [1]} : vector<16xf32> to vector<1xf32>
      %squeeze3A_781 = vector.extract %slice3A_780[0] : f32 from vector<1xf32>
      %broadcast_in_dim3A_782 = vector.broadcast %squeeze3A_781 : f32 to vector<16xf32>
      %mul3A_783 = arith.constant 16 : i32
      %mul3A_784 = arith.muli %scan3A_109, %mul3A_783 : i32
      %add3A_785 = arith.constant 12 : i32
      %add3A_786 = arith.addi %mul3A_784, %add3A_785 : i32
      %get3A_787 = arith.index_cast %add3A_786 : i32 to index
      %get3A_788 = arith.constant 0 : index
      %get3A_789 = tpu.vector_load %arg12[%get3A_787, %get3A_788] {strides = array<i32>} : memref<320x128xf32, #tpu.memory_space<vmem>>, vector<1x16xf32>,
      %get3A_790 = vector.shape_cast %get3A_789 : vector<1x16xf32> to vector<16xf32>
      %mul3A_791 = arith.mulf %broadcast_in_dim3A_782, %get3A_790 : vector<16xf32>
      %add3A_792 = arith.addf %add3A_737, %mul3A_791 : vector<16xf32>
      %get3A_793 = arith.index_cast %add3A_786 : i32 to index
      %get3A_794 = arith.constant 16 : index
      %get3A_795 = tpu.vector_load %arg12[%get3A_793, %get3A_794] {strides = array<i32>} : memref<320x128xf32, #tpu.memory_space<vmem>>, vector<1x16xf32>,
      %get3A_796 = vector.shape_cast %get3A_795 : vector<1x16xf32> to vector<16xf32>
      %mul3A_797 = arith.mulf %broadcast_in_dim3A_782, %get3A_796 : vector<16xf32>
      %add3A_798 = arith.addf %add3A_743, %mul3A_797 : vector<16xf32>
      %get3A_799 = arith.index_cast %add3A_786 : i32 to index
      %get3A_800 = arith.constant 32 : index
      %get3A_801 = tpu.vector_load %arg12[%get3A_799, %get3A_800] {strides = array<i32>} : memref<320x128xf32, #tpu.memory_space<vmem>>, vector<1x16xf32>,
      %get3A_802 = vector.shape_cast %get3A_801 : vector<1x16xf32> to vector<16xf32>
      %mul3A_803 = arith.mulf %broadcast_in_dim3A_782, %get3A_802 : vector<16xf32>
      %add3A_804 = arith.addf %add3A_749, %mul3A_803 : vector<16xf32>
      %get3A_805 = arith.index_cast %add3A_786 : i32 to index
      %get3A_806 = arith.constant 48 : index
      %get3A_807 = tpu.vector_load %arg12[%get3A_805, %get3A_806] {strides = array<i32>} : memref<320x128xf32, #tpu.memory_space<vmem>>, vector<1x16xf32>,
      %get3A_808 = vector.shape_cast %get3A_807 : vector<1x16xf32> to vector<16xf32>
      %mul3A_809 = arith.mulf %broadcast_in_dim3A_782, %get3A_808 : vector<16xf32>
      %add3A_810 = arith.addf %add3A_755, %mul3A_809 : vector<16xf32>
      %get3A_811 = arith.index_cast %add3A_786 : i32 to index
      %get3A_812 = arith.constant 64 : index
      %get3A_813 = tpu.vector_load %arg12[%get3A_811, %get3A_812] {strides = array<i32>} : memref<320x128xf32, #tpu.memory_space<vmem>>, vector<1x16xf32>,
      %get3A_814 = vector.shape_cast %get3A_813 : vector<1x16xf32> to vector<16xf32>
      %mul3A_815 = arith.mulf %broadcast_in_dim3A_782, %get3A_814 : vector<16xf32>
      %add3A_816 = arith.addf %add3A_761, %mul3A_815 : vector<16xf32>
      %get3A_817 = arith.index_cast %add3A_786 : i32 to index
      %get3A_818 = arith.constant 80 : index
      %get3A_819 = tpu.vector_load %arg12[%get3A_817, %get3A_818] {strides = array<i32>} : memref<320x128xf32, #tpu.memory_space<vmem>>, vector<1x16xf32>,
      %get3A_820 = vector.shape_cast %get3A_819 : vector<1x16xf32> to vector<16xf32>
      %mul3A_821 = arith.mulf %broadcast_in_dim3A_782, %get3A_820 : vector<16xf32>
      %add3A_822 = arith.addf %add3A_767, %mul3A_821 : vector<16xf32>
      %get3A_823 = arith.index_cast %add3A_786 : i32 to index
      %get3A_824 = arith.constant 96 : index
      %get3A_825 = tpu.vector_load %arg12[%get3A_823, %get3A_824] {strides = array<i32>} : memref<320x128xf32, #tpu.memory_space<vmem>>, vector<1x16xf32>,
      %get3A_826 = vector.shape_cast %get3A_825 : vector<1x16xf32> to vector<16xf32>
      %mul3A_827 = arith.mulf %broadcast_in_dim3A_782, %get3A_826 : vector<16xf32>
      %add3A_828 = arith.addf %add3A_773, %mul3A_827 : vector<16xf32>
      %get3A_829 = arith.index_cast %add3A_786 : i32 to index
      %get3A_830 = arith.constant 112 : index
      %get3A_831 = tpu.vector_load %arg12[%get3A_829, %get3A_830] {strides = array<i32>} : memref<320x128xf32, #tpu.memory_space<vmem>>, vector<1x16xf32>,
      %get3A_832 = vector.shape_cast %get3A_831 : vector<1x16xf32> to vector<16xf32>
      %mul3A_833 = arith.mulf %broadcast_in_dim3A_782, %get3A_832 : vector<16xf32>
      %add3A_834 = arith.addf %add3A_779, %mul3A_833 : vector<16xf32>
      %slice3A_835 = vector.extract_strided_slice %get3A_121 {offsets = [13], sizes = [1], strides = [1]} : vector<16xf32> to vector<1xf32>
      %squeeze3A_836 = vector.extract %slice3A_835[0] : f32 from vector<1xf32>
      %broadcast_in_dim3A_837 = vector.broadcast %squeeze3A_836 : f32 to vector<16xf32>
      %mul3A_838 = arith.constant 16 : i32
      %mul3A_839 = arith.muli %scan3A_109, %mul3A_838 : i32
      %add3A_840 = arith.constant 13 : i32
      %add3A_841 = arith.addi %mul3A_839, %add3A_840 : i32
      %get3A_842 = arith.index_cast %add3A_841 : i32 to index
      %get3A_843 = arith.constant 0 : index
      %get3A_844 = tpu.vector_load %arg12[%get3A_842, %get3A_843] {strides = array<i32>} : memref<320x128xf32, #tpu.memory_space<vmem>>, vector<1x16xf32>,
      %get3A_845 = vector.shape_cast %get3A_844 : vector<1x16xf32> to vector<16xf32>
      %mul3A_846 = arith.mulf %broadcast_in_dim3A_837, %get3A_845 : vector<16xf32>
      %add3A_847 = arith.addf %add3A_792, %mul3A_846 : vector<16xf32>
      %get3A_848 = arith.index_cast %add3A_841 : i32 to index
      %get3A_849 = arith.constant 16 : index
      %get3A_850 = tpu.vector_load %arg12[%get3A_848, %get3A_849] {strides = array<i32>} : memref<320x128xf32, #tpu.memory_space<vmem>>, vector<1x16xf32>,
      %get3A_851 = vector.shape_cast %get3A_850 : vector<1x16xf32> to vector<16xf32>
      %mul3A_852 = arith.mulf %broadcast_in_dim3A_837, %get3A_851 : vector<16xf32>
      %add3A_853 = arith.addf %add3A_798, %mul3A_852 : vector<16xf32>
      %get3A_854 = arith.index_cast %add3A_841 : i32 to index
      %get3A_855 = arith.constant 32 : index
      %get3A_856 = tpu.vector_load %arg12[%get3A_854, %get3A_855] {strides = array<i32>} : memref<320x128xf32, #tpu.memory_space<vmem>>, vector<1x16xf32>,
      %get3A_857 = vector.shape_cast %get3A_856 : vector<1x16xf32> to vector<16xf32>
      %mul3A_858 = arith.mulf %broadcast_in_dim3A_837, %get3A_857 : vector<16xf32>
      %add3A_859 = arith.addf %add3A_804, %mul3A_858 : vector<16xf32>
      %get3A_860 = arith.index_cast %add3A_841 : i32 to index
      %get3A_861 = arith.constant 48 : index
      %get3A_862 = tpu.vector_load %arg12[%get3A_860, %get3A_861] {strides = array<i32>} : memref<320x128xf32, #tpu.memory_space<vmem>>, vector<1x16xf32>,
      %get3A_863 = vector.shape_cast %get3A_862 : vector<1x16xf32> to vector<16xf32>
      %mul3A_864 = arith.mulf %broadcast_in_dim3A_837, %get3A_863 : vector<16xf32>
      %add3A_865 = arith.addf %add3A_810, %mul3A_864 : vector<16xf32>
      %get3A_866 = arith.index_cast %add3A_841 : i32 to index
      %get3A_867 = arith.constant 64 : index
      %get3A_868 = tpu.vector_load %arg12[%get3A_866, %get3A_867] {strides = array<i32>} : memref<320x128xf32, #tpu.memory_space<vmem>>, vector<1x16xf32>,
      %get3A_869 = vector.shape_cast %get3A_868 : vector<1x16xf32> to vector<16xf32>
      %mul3A_870 = arith.mulf %broadcast_in_dim3A_837, %get3A_869 : vector<16xf32>
      %add3A_871 = arith.addf %add3A_816, %mul3A_870 : vector<16xf32>
      %get3A_872 = arith.index_cast %add3A_841 : i32 to index
      %get3A_873 = arith.constant 80 : index
      %get3A_874 = tpu.vector_load %arg12[%get3A_872, %get3A_873] {strides = array<i32>} : memref<320x128xf32, #tpu.memory_space<vmem>>, vector<1x16xf32>,
      %get3A_875 = vector.shape_cast %get3A_874 : vector<1x16xf32> to vector<16xf32>
      %mul3A_876 = arith.mulf %broadcast_in_dim3A_837, %get3A_875 : vector<16xf32>
      %add3A_877 = arith.addf %add3A_822, %mul3A_876 : vector<16xf32>
      %get3A_878 = arith.index_cast %add3A_841 : i32 to index
      %get3A_879 = arith.constant 96 : index
      %get3A_880 = tpu.vector_load %arg12[%get3A_878, %get3A_879] {strides = array<i32>} : memref<320x128xf32, #tpu.memory_space<vmem>>, vector<1x16xf32>,
      %get3A_881 = vector.shape_cast %get3A_880 : vector<1x16xf32> to vector<16xf32>
      %mul3A_882 = arith.mulf %broadcast_in_dim3A_837, %get3A_881 : vector<16xf32>
      %add3A_883 = arith.addf %add3A_828, %mul3A_882 : vector<16xf32>
      %get3A_884 = arith.index_cast %add3A_841 : i32 to index
      %get3A_885 = arith.constant 112 : index
      %get3A_886 = tpu.vector_load %arg12[%get3A_884, %get3A_885] {strides = array<i32>} : memref<320x128xf32, #tpu.memory_space<vmem>>, vector<1x16xf32>,
      %get3A_887 = vector.shape_cast %get3A_886 : vector<1x16xf32> to vector<16xf32>
      %mul3A_888 = arith.mulf %broadcast_in_dim3A_837, %get3A_887 : vector<16xf32>
      %add3A_889 = arith.addf %add3A_834, %mul3A_888 : vector<16xf32>
      %slice3A_890 = vector.extract_strided_slice %get3A_121 {offsets = [14], sizes = [1], strides = [1]} : vector<16xf32> to vector<1xf32>
      %squeeze3A_891 = vector.extract %slice3A_890[0] : f32 from vector<1xf32>
      %broadcast_in_dim3A_892 = vector.broadcast %squeeze3A_891 : f32 to vector<16xf32>
      %mul3A_893 = arith.constant 16 : i32
      %mul3A_894 = arith.muli %scan3A_109, %mul3A_893 : i32
      %add3A_895 = arith.constant 14 : i32
      %add3A_896 = arith.addi %mul3A_894, %add3A_895 : i32
      %get3A_897 = arith.index_cast %add3A_896 : i32 to index
      %get3A_898 = arith.constant 0 : index
      %get3A_899 = tpu.vector_load %arg12[%get3A_897, %get3A_898] {strides = array<i32>} : memref<320x128xf32, #tpu.memory_space<vmem>>, vector<1x16xf32>,
      %get3A_900 = vector.shape_cast %get3A_899 : vector<1x16xf32> to vector<16xf32>
      %mul3A_901 = arith.mulf %broadcast_in_dim3A_892, %get3A_900 : vector<16xf32>
      %add3A_902 = arith.addf %add3A_847, %mul3A_901 : vector<16xf32>
      %get3A_903 = arith.index_cast %add3A_896 : i32 to index
      %get3A_904 = arith.constant 16 : index
      %get3A_905 = tpu.vector_load %arg12[%get3A_903, %get3A_904] {strides = array<i32>} : memref<320x128xf32, #tpu.memory_space<vmem>>, vector<1x16xf32>,
      %get3A_906 = vector.shape_cast %get3A_905 : vector<1x16xf32> to vector<16xf32>
      %mul3A_907 = arith.mulf %broadcast_in_dim3A_892, %get3A_906 : vector<16xf32>
      %add3A_908 = arith.addf %add3A_853, %mul3A_907 : vector<16xf32>
      %get3A_909 = arith.index_cast %add3A_896 : i32 to index
      %get3A_910 = arith.constant 32 : index
      %get3A_911 = tpu.vector_load %arg12[%get3A_909, %get3A_910] {strides = array<i32>} : memref<320x128xf32, #tpu.memory_space<vmem>>, vector<1x16xf32>,
      %get3A_912 = vector.shape_cast %get3A_911 : vector<1x16xf32> to vector<16xf32>
      %mul3A_913 = arith.mulf %broadcast_in_dim3A_892, %get3A_912 : vector<16xf32>
      %add3A_914 = arith.addf %add3A_859, %mul3A_913 : vector<16xf32>
      %get3A_915 = arith.index_cast %add3A_896 : i32 to index
      %get3A_916 = arith.constant 48 : index
      %get3A_917 = tpu.vector_load %arg12[%get3A_915, %get3A_916] {strides = array<i32>} : memref<320x128xf32, #tpu.memory_space<vmem>>, vector<1x16xf32>,
      %get3A_918 = vector.shape_cast %get3A_917 : vector<1x16xf32> to vector<16xf32>
      %mul3A_919 = arith.mulf %broadcast_in_dim3A_892, %get3A_918 : vector<16xf32>
      %add3A_920 = arith.addf %add3A_865, %mul3A_919 : vector<16xf32>
      %get3A_921 = arith.index_cast %add3A_896 : i32 to index
      %get3A_922 = arith.constant 64 : index
      %get3A_923 = tpu.vector_load %arg12[%get3A_921, %get3A_922] {strides = array<i32>} : memref<320x128xf32, #tpu.memory_space<vmem>>, vector<1x16xf32>,
      %get3A_924 = vector.shape_cast %get3A_923 : vector<1x16xf32> to vector<16xf32>
      %mul3A_925 = arith.mulf %broadcast_in_dim3A_892, %get3A_924 : vector<16xf32>
      %add3A_926 = arith.addf %add3A_871, %mul3A_925 : vector<16xf32>
      %get3A_927 = arith.index_cast %add3A_896 : i32 to index
      %get3A_928 = arith.constant 80 : index
      %get3A_929 = tpu.vector_load %arg12[%get3A_927, %get3A_928] {strides = array<i32>} : memref<320x128xf32, #tpu.memory_space<vmem>>, vector<1x16xf32>,
      %get3A_930 = vector.shape_cast %get3A_929 : vector<1x16xf32> to vector<16xf32>
      %mul3A_931 = arith.mulf %broadcast_in_dim3A_892, %get3A_930 : vector<16xf32>
      %add3A_932 = arith.addf %add3A_877, %mul3A_931 : vector<16xf32>
      %get3A_933 = arith.index_cast %add3A_896 : i32 to index
      %get3A_934 = arith.constant 96 : index
      %get3A_935 = tpu.vector_load %arg12[%get3A_933, %get3A_934] {strides = array<i32>} : memref<320x128xf32, #tpu.memory_space<vmem>>, vector<1x16xf32>,
      %get3A_936 = vector.shape_cast %get3A_935 : vector<1x16xf32> to vector<16xf32>
      %mul3A_937 = arith.mulf %broadcast_in_dim3A_892, %get3A_936 : vector<16xf32>
      %add3A_938 = arith.addf %add3A_883, %mul3A_937 : vector<16xf32>
      %get3A_939 = arith.index_cast %add3A_896 : i32 to index
      %get3A_940 = arith.constant 112 : index
      %get3A_941 = tpu.vector_load %arg12[%get3A_939, %get3A_940] {strides = array<i32>} : memref<320x128xf32, #tpu.memory_space<vmem>>, vector<1x16xf32>,
      %get3A_942 = vector.shape_cast %get3A_941 : vector<1x16xf32> to vector<16xf32>
      %mul3A_943 = arith.mulf %broadcast_in_dim3A_892, %get3A_942 : vector<16xf32>
      %add3A_944 = arith.addf %add3A_889, %mul3A_943 : vector<16xf32>
      %slice3A_945 = vector.extract_strided_slice %get3A_121 {offsets = [15], sizes = [1], strides = [1]} : vector<16xf32> to vector<1xf32>
      %squeeze3A_946 = vector.extract %slice3A_945[0] : f32 from vector<1xf32>
      %broadcast_in_dim3A_947 = vector.broadcast %squeeze3A_946 : f32 to vector<16xf32>
      %mul3A_948 = arith.constant 16 : i32
      %mul3A_949 = arith.muli %scan3A_109, %mul3A_948 : i32
      %add3A_950 = arith.constant 15 : i32
      %add3A_951 = arith.addi %mul3A_949, %add3A_950 : i32
      %get3A_952 = arith.index_cast %add3A_951 : i32 to index
      %get3A_953 = arith.constant 0 : index
      %get3A_954 = tpu.vector_load %arg12[%get3A_952, %get3A_953] {strides = array<i32>} : memref<320x128xf32, #tpu.memory_space<vmem>>, vector<1x16xf32>,
      %get3A_955 = vector.shape_cast %get3A_954 : vector<1x16xf32> to vector<16xf32>
      %mul3A_956 = arith.mulf %broadcast_in_dim3A_947, %get3A_955 : vector<16xf32>
      %add3A_957 = arith.addf %add3A_902, %mul3A_956 : vector<16xf32>
      %get3A_958 = arith.index_cast %add3A_951 : i32 to index
      %get3A_959 = arith.constant 16 : index
      %get3A_960 = tpu.vector_load %arg12[%get3A_958, %get3A_959] {strides = array<i32>} : memref<320x128xf32, #tpu.memory_space<vmem>>, vector<1x16xf32>,
      %get3A_961 = vector.shape_cast %get3A_960 : vector<1x16xf32> to vector<16xf32>
      %mul3A_962 = arith.mulf %broadcast_in_dim3A_947, %get3A_961 : vector<16xf32>
      %add3A_963 = arith.addf %add3A_908, %mul3A_962 : vector<16xf32>
      %get3A_964 = arith.index_cast %add3A_951 : i32 to index
      %get3A_965 = arith.constant 32 : index
      %get3A_966 = tpu.vector_load %arg12[%get3A_964, %get3A_965] {strides = array<i32>} : memref<320x128xf32, #tpu.memory_space<vmem>>, vector<1x16xf32>,
      %get3A_967 = vector.shape_cast %get3A_966 : vector<1x16xf32> to vector<16xf32>
      %mul3A_968 = arith.mulf %broadcast_in_dim3A_947, %get3A_967 : vector<16xf32>
      %add3A_969 = arith.addf %add3A_914, %mul3A_968 : vector<16xf32>
      %get3A_970 = arith.index_cast %add3A_951 : i32 to index
      %get3A_971 = arith.constant 48 : index
      %get3A_972 = tpu.vector_load %arg12[%get3A_970, %get3A_971] {strides = array<i32>} : memref<320x128xf32, #tpu.memory_space<vmem>>, vector<1x16xf32>,
      %get3A_973 = vector.shape_cast %get3A_972 : vector<1x16xf32> to vector<16xf32>
      %mul3A_974 = arith.mulf %broadcast_in_dim3A_947, %get3A_973 : vector<16xf32>
      %add3A_975 = arith.addf %add3A_920, %mul3A_974 : vector<16xf32>
      %get3A_976 = arith.index_cast %add3A_951 : i32 to index
      %get3A_977 = arith.constant 64 : index
      %get3A_978 = tpu.vector_load %arg12[%get3A_976, %get3A_977] {strides = array<i32>} : memref<320x128xf32, #tpu.memory_space<vmem>>, vector<1x16xf32>,
      %get3A_979 = vector.shape_cast %get3A_978 : vector<1x16xf32> to vector<16xf32>
      %mul3A_980 = arith.mulf %broadcast_in_dim3A_947, %get3A_979 : vector<16xf32>
      %add3A_981 = arith.addf %add3A_926, %mul3A_980 : vector<16xf32>
      %get3A_982 = arith.index_cast %add3A_951 : i32 to index
      %get3A_983 = arith.constant 80 : index
      %get3A_984 = tpu.vector_load %arg12[%get3A_982, %get3A_983] {strides = array<i32>} : memref<320x128xf32, #tpu.memory_space<vmem>>, vector<1x16xf32>,
      %get3A_985 = vector.shape_cast %get3A_984 : vector<1x16xf32> to vector<16xf32>
      %mul3A_986 = arith.mulf %broadcast_in_dim3A_947, %get3A_985 : vector<16xf32>
      %add3A_987 = arith.addf %add3A_932, %mul3A_986 : vector<16xf32>
      %get3A_988 = arith.index_cast %add3A_951 : i32 to index
      %get3A_989 = arith.constant 96 : index
      %get3A_990 = tpu.vector_load %arg12[%get3A_988, %get3A_989] {strides = array<i32>} : memref<320x128xf32, #tpu.memory_space<vmem>>, vector<1x16xf32>,
      %get3A_991 = vector.shape_cast %get3A_990 : vector<1x16xf32> to vector<16xf32>
      %mul3A_992 = arith.mulf %broadcast_in_dim3A_947, %get3A_991 : vector<16xf32>
      %add3A_993 = arith.addf %add3A_938, %mul3A_992 : vector<16xf32>
      %get3A_994 = arith.index_cast %add3A_951 : i32 to index
      %get3A_995 = arith.constant 112 : index
      %get3A_996 = tpu.vector_load %arg12[%get3A_994, %get3A_995] {strides = array<i32>} : memref<320x128xf32, #tpu.memory_space<vmem>>, vector<1x16xf32>,
      %get3A_997 = vector.shape_cast %get3A_996 : vector<1x16xf32> to vector<16xf32>
      %mul3A_998 = arith.mulf %broadcast_in_dim3A_947, %get3A_997 : vector<16xf32>
      %add3A_999 = arith.addf %add3A_944, %mul3A_998 : vector<16xf32>
      scf.yield %add3A_957, %add3A_963, %add3A_969, %add3A_975, %add3A_981, %add3A_987, %add3A_993, %add3A_999 : vector<16xf32>, vector<16xf32>, vector<16xf32>, vector<16xf32>, vector<16xf32>, vector<16xf32>, vector<16xf32>, vector<16xf32>
    }
    %scan3A_77 = arith.constant 20 : i32
    %swap3A = arith.constant 0 : index
    %swap3A_78 = tpu.vector_load %arg14[%swap3A] {strides = array<i32>} : memref<128xf32, #tpu.memory_space<vmem>>, vector<16xf32>,
    %swap3A_79 = vector.shape_cast %swap3A_78 : vector<16xf32> to vector<16xf32>
    %swap3A_80 = vector.shape_cast %scan3A_76#0 : vector<16xf32> to vector<16xf32>
    tpu.vector_store %arg14[%swap3A], %swap3A_80 {strides = array<i32>} : memref<128xf32, #tpu.memory_space<vmem>>, vector<16xf32>,
    %swap3A_81 = arith.constant 16 : index
    %swap3A_82 = tpu.vector_load %arg14[%swap3A_81] {strides = array<i32>} : memref<128xf32, #tpu.memory_space<vmem>>, vector<16xf32>,
    %swap3A_83 = vector.shape_cast %swap3A_82 : vector<16xf32> to vector<16xf32>
    %swap3A_84 = vector.shape_cast %scan3A_76#1 : vector<16xf32> to vector<16xf32>
    tpu.vector_store %arg14[%swap3A_81], %swap3A_84 {strides = array<i32>} : memref<128xf32, #tpu.memory_space<vmem>>, vector<16xf32>,
    %swap3A_85 = arith.constant 32 : index
    %swap3A_86 = tpu.vector_load %arg14[%swap3A_85] {strides = array<i32>} : memref<128xf32, #tpu.memory_space<vmem>>, vector<16xf32>,
    %swap3A_87 = vector.shape_cast %swap3A_86 : vector<16xf32> to vector<16xf32>
    %swap3A_88 = vector.shape_cast %scan3A_76#2 : vector<16xf32> to vector<16xf32>
    tpu.vector_store %arg14[%swap3A_85], %swap3A_88 {strides = array<i32>} : memref<128xf32, #tpu.memory_space<vmem>>, vector<16xf32>,
    %swap3A_89 = arith.constant 48 : index
    %swap3A_90 = tpu.vector_load %arg14[%swap3A_89] {strides = array<i32>} : memref<128xf32, #tpu.memory_space<vmem>>, vector<16xf32>,
    %swap3A_91 = vector.shape_cast %swap3A_90 : vector<16xf32> to vector<16xf32>
    %swap3A_92 = vector.shape_cast %scan3A_76#3 : vector<16xf32> to vector<16xf32>
    tpu.vector_store %arg14[%swap3A_89], %swap3A_92 {strides = array<i32>} : memref<128xf32, #tpu.memory_space<vmem>>, vector<16xf32>,
    %swap3A_93 = arith.constant 64 : index
    %swap3A_94 = tpu.vector_load %arg14[%swap3A_93] {strides = array<i32>} : memref<128xf32, #tpu.memory_space<vmem>>, vector<16xf32>,
    %swap3A_95 = vector.shape_cast %swap3A_94 : vector<16xf32> to vector<16xf32>
    %swap3A_96 = vector.shape_cast %scan3A_76#4 : vector<16xf32> to vector<16xf32>
    tpu.vector_store %arg14[%swap3A_93], %swap3A_96 {strides = array<i32>} : memref<128xf32, #tpu.memory_space<vmem>>, vector<16xf32>,
    %swap3A_97 = arith.constant 80 : index
    %swap3A_98 = tpu.vector_load %arg14[%swap3A_97] {strides = array<i32>} : memref<128xf32, #tpu.memory_space<vmem>>, vector<16xf32>,
    %swap3A_99 = vector.shape_cast %swap3A_98 : vector<16xf32> to vector<16xf32>
    %swap3A_100 = vector.shape_cast %scan3A_76#5 : vector<16xf32> to vector<16xf32>
    tpu.vector_store %arg14[%swap3A_97], %swap3A_100 {strides = array<i32>} : memref<128xf32, #tpu.memory_space<vmem>>, vector<16xf32>,
    %swap3A_101 = arith.constant 96 : index
    %swap3A_102 = tpu.vector_load %arg14[%swap3A_101] {strides = array<i32>} : memref<128xf32, #tpu.memory_space<vmem>>, vector<16xf32>,
    %swap3A_103 = vector.shape_cast %swap3A_102 : vector<16xf32> to vector<16xf32>
    %swap3A_104 = vector.shape_cast %scan3A_76#6 : vector<16xf32> to vector<16xf32>
    tpu.vector_store %arg14[%swap3A_101], %swap3A_104 {strides = array<i32>} : memref<128xf32, #tpu.memory_space<vmem>>, vector<16xf32>,
    %swap3A_105 = arith.constant 112 : index
    %swap3A_106 = tpu.vector_load %arg14[%swap3A_105] {strides = array<i32>} : memref<128xf32, #tpu.memory_space<vmem>>, vector<16xf32>,
    %swap3A_107 = vector.shape_cast %swap3A_106 : vector<16xf32> to vector<16xf32>
    %swap3A_108 = vector.shape_cast %scan3A_76#7 : vector<16xf32> to vector<16xf32>
    tpu.vector_store %arg14[%swap3A_105], %swap3A_108 {strides = array<i32>} : memref<128xf32, #tpu.memory_space<vmem>>, vector<16xf32>,
    "tpu.region"() ({
      %run_scoped3A = tpu.sem_alloc : memref<!tpu.dma_semaphore, #tpu.memory_space<semaphore_mem>>
      %dma_start3A_109 = arith.constant 0 : i32
      %dma_start3A_110 = tpu.memref_slice %arg5[%add3A, %dma_start3A_109] : memref<32x128xf32, #tpu.memory_space<hbm>> -> memref<1x128xf32, #tpu.memory_space<hbm>>
      %dma_start3A_111 = tpu.memref_squeeze %dma_start3A_110 : memref<1x128xf32, #tpu.memory_space<hbm>> -> memref<128xf32, #tpu.memory_space<hbm>>
      %dma_start3A_112 = arith.constant 0 : i32
      %dma_start3A_113 = tpu.memref_slice %arg5[%add3A, %dma_start3A_112] : memref<32x128xf32, #tpu.memory_space<hbm>> -> memref<1x128xf32, #tpu.memory_space<hbm>>
      %dma_start3A_114 = tpu.memref_squeeze %dma_start3A_113 : memref<1x128xf32, #tpu.memory_space<hbm>> -> memref<128xf32, #tpu.memory_space<hbm>>
      tpu.enqueue_dma source(%arg14 : memref<128xf32, #tpu.memory_space<vmem>>) target(%dma_start3A_114 : memref<128xf32, #tpu.memory_space<hbm>>) target_semaphore(%run_scoped3A : memref<!tpu.dma_semaphore, #tpu.memory_space<semaphore_mem>>)
      %dma_wait3A_115 = arith.constant 0 : i32
      %dma_wait3A_116 = tpu.memref_slice %arg5[%add3A, %dma_wait3A_115] : memref<32x128xf32, #tpu.memory_space<hbm>> -> memref<1x128xf32, #tpu.memory_space<hbm>>
      %dma_wait3A_117 = tpu.memref_squeeze %dma_wait3A_116 : memref<1x128xf32, #tpu.memory_space<hbm>> -> memref<128xf32, #tpu.memory_space<hbm>>
      %dma_wait3A_118 = arith.constant 0 : i32
      %dma_wait3A_119 = tpu.memref_slice %arg5[%add3A, %dma_wait3A_118] : memref<32x128xf32, #tpu.memory_space<hbm>> -> memref<1x128xf32, #tpu.memory_space<hbm>>
      %dma_wait3A_120 = tpu.memref_squeeze %dma_wait3A_119 : memref<1x128xf32, #tpu.memory_space<hbm>> -> memref<128xf32, #tpu.memory_space<hbm>>
      tpu.wait_dma2 semaphore(%run_scoped3A : memref<!tpu.dma_semaphore, #tpu.memory_space<semaphore_mem>>) src(%arg14 : memref<128xf32, #tpu.memory_space<vmem>>) dst(%dma_wait3A_120 : memref<128xf32, #tpu.memory_space<hbm>>)
      tpu.yield
    }) : () -> ()
    "tpu.trace_stop"() : () -> ()
    return
  }
}

module attributes {stable_mosaic.version = 14 : i64} {
  func.func @_tc_body(%arg0: i32, %arg1: memref<32x128xf32, #tpu.memory_space<vmem>>, %arg2: memref<128x128xf32, #tpu.memory_space<vmem>>, %arg3: memref<128xf32, #tpu.memory_space<vmem>>, %arg4: memref<10000x128xf32, #tpu.memory_space<vmem>>, %arg5: memref<1x1x10000xf32, #tpu.memory_space<vmem>>, %arg6: memref<1x1x10000xf32, #tpu.memory_space<vmem>>, %arg7: memref<1x128xf32, #tpu.memory_space<vmem>>) attributes {dimension_semantics = [#tpu.dimension_semantics<arbitrary>], iteration_bounds = array<i64: 10>, scalar_prefetch = 0 : i64, scratch_operands = 1 : i64, tpu.core_type = #tpu.core_type<tc>, window_params = [{pipeline_mode = #tpu.pipeline_mode<synchronous>, transform_indices = @transform_0, window_bounds = array<i64: 32, 128>}, {pipeline_mode = #tpu.pipeline_mode<synchronous>, transform_indices = @transform_1, window_bounds = array<i64: 128, 128>}, {pipeline_mode = #tpu.pipeline_mode<synchronous>, transform_indices = @transform_2, window_bounds = array<i64: 128>}, {transform_indices = @transform_3, window_bounds = array<i64: 10000, 128>}, {transform_indices = @transform_4, window_bounds = array<i64: 1, 1, 10000>}, {transform_indices = @transform_5, window_bounds = array<i64: 1, 1, 10000>}]} {
    %eq3A = arith.constant 0 : i32
    %eq3A_0 = arith.cmpi eq, %arg0, %eq3A : i32
    %convert_element_type3A = arith.extui %eq3A_0 : i1 to i32
    %cond3A = arith.constant 0 : i32
    %cond3A_1 = arith.cmpi ne, %convert_element_type3A, %cond3A : i32
    scf.if %cond3A_1 {
      %get3A_15 = arith.constant 0 : index
      %get3A_16 = arith.constant 0 : index
      %get3A_17 = vector.load %arg1[%get3A_15, %get3A_16] : memref<32x128xf32, #tpu.memory_space<vmem>>, vector<32x128xf32>
      %reduce_sum3A = arith.constant dense<0.000000e+00> : vector<128xf32>
      %reduce_sum3A_18 = vector.multi_reduction <add>, %get3A_17, %reduce_sum3A [0] : vector<32x128xf32> to vector<128xf32>
      %broadcast_in_dim3A_19 = vector.shape_cast %reduce_sum3A_18 : vector<128xf32> to vector<1x128xf32>
      %get3A_20 = arith.constant 0 : index
      %get3A_21 = arith.constant 0 : index
      %get3A_22 = vector.load %arg2[%get3A_20, %get3A_21] : memref<128x128xf32, #tpu.memory_space<vmem>>, vector<128x128xf32>
      %dot_general3A_23 = arith.constant dense<0.000000e+00> : vector<1x128xf32>
      %dot_general3A_24 = tpu.matmul %broadcast_in_dim3A_19, %get3A_22, %dot_general3A_23 {dimension_numbers = #tpu.dot_dimension_numbers<[1], [0], [0], [1], [0, 0, 1, 1], [], []>, transpose_lhs_hint = false} : vector<1x128xf32>, vector<128x128xf32>, vector<1x128xf32> -> vector<1x128xf32>
      %mul3A = arith.constant 9.99999974E-5 : f32
      %mul3A_25 = vector.broadcast %mul3A : f32 to vector<1x128xf32>
      %mul3A_26 = arith.mulf %dot_general3A_24, %mul3A_25 : vector<1x128xf32>
      %get3A_27 = arith.constant 0 : index
      %get3A_28 = vector.load %arg3[%get3A_27] : memref<128xf32, #tpu.memory_space<vmem>>, vector<128xf32>
      %broadcast_in_dim3A_29 = vector.shape_cast %get3A_28 : vector<128xf32> to vector<1x128xf32>
      %add3A_30 = arith.addf %mul3A_26, %broadcast_in_dim3A_29 : vector<1x128xf32>
      %swap3A_31 = arith.constant 0 : index
      %swap3A_32 = arith.constant 0 : index
      %swap3A_33 = vector.load %arg7[%swap3A_31, %swap3A_32] : memref<1x128xf32, #tpu.memory_space<vmem>>, vector<1x128xf32>
      tpu.vector_store %arg7[%swap3A_31, %swap3A_32], %add3A_30 {strides = array<i32>} : memref<1x128xf32, #tpu.memory_space<vmem>>, vector<1x128xf32>,
    } else {
    }
    %get3A = arith.constant 0 : index
    %get3A_2 = arith.constant 0 : index
    %get3A_3 = vector.load %arg7[%get3A, %get3A_2] : memref<1x128xf32, #tpu.memory_space<vmem>>, vector<1x128xf32>
    %get3A_4 = arith.constant 0 : index
    %get3A_5 = arith.constant 0 : index
    %get3A_6 = vector.load %arg4[%get3A_4, %get3A_5] : memref<10000x128xf32, #tpu.memory_space<vmem>>, vector<10000x128xf32>
    %dot_general3A = arith.constant dense<0.000000e+00> : vector<1x10000xf32>
    %dot_general3A_7 = tpu.matmul %get3A_3, %get3A_6, %dot_general3A {dimension_numbers = #tpu.dot_dimension_numbers<[1], [1], [0], [0], [0, 0, 1, 0], [], []>, transpose_lhs_hint = false} : vector<1x128xf32>, vector<10000x128xf32>, vector<1x10000xf32> -> vector<1x10000xf32>
    %broadcast_in_dim3A = vector.shape_cast %dot_general3A_7 : vector<1x10000xf32> to vector<1x1x10000xf32>
    %get3A_8 = arith.constant 0 : index
    %get3A_9 = arith.constant 0 : index
    %get3A_10 = arith.constant 0 : index
    %get3A_11 = vector.load %arg5[%get3A_8, %get3A_9, %get3A_10] : memref<1x1x10000xf32, #tpu.memory_space<vmem>>, vector<1x1x10000xf32>
    %add3A = arith.addf %broadcast_in_dim3A, %get3A_11 : vector<1x1x10000xf32>
    %swap3A = arith.constant 0 : index
    %swap3A_12 = arith.constant 0 : index
    %swap3A_13 = arith.constant 0 : index
    %swap3A_14 = vector.load %arg6[%swap3A, %swap3A_12, %swap3A_13] : memref<1x1x10000xf32, #tpu.memory_space<vmem>>, vector<1x1x10000xf32>
    tpu.vector_store %arg6[%swap3A, %swap3A_12, %swap3A_13], %add3A {strides = array<i32>} : memref<1x1x10000xf32, #tpu.memory_space<vmem>>, vector<1x1x10000xf32>,
    return
  }
  func.func @transform_0(%arg0: i32) -> (i32, i32) {
    %c0_i32 = arith.constant 0 : i32
    %c0_i32_0 = arith.constant 0 : i32
    %c0_i32_1 = arith.constant 0 : i32
    return %c0_i32, %c0_i32_0 : i32, i32
  }
  func.func @transform_1(%arg0: i32) -> (i32, i32) {
    %c0_i32 = arith.constant 0 : i32
    %c0_i32_0 = arith.constant 0 : i32
    %c0_i32_1 = arith.constant 0 : i32
    return %c0_i32, %c0_i32_0 : i32, i32
  }
  func.func @transform_2(%arg0: i32) -> i32 {
    %c0_i32 = arith.constant 0 : i32
    %c0_i32_0 = arith.constant 0 : i32
    return %c0_i32 : i32
  }
  func.func @transform_3(%arg0: i32) -> (i32, i32) {
    %c0_i32 = arith.constant 0 : i32
    %c0_i32_0 = arith.constant 0 : i32
    return %arg0, %c0_i32 : i32, i32
  }
  func.func @transform_4(%arg0: i32) -> (i32, i32, i32) {
    %c0_i32 = arith.constant 0 : i32
    %c0_i32_0 = arith.constant 0 : i32
    %c0_i32_1 = arith.constant 0 : i32
    return %arg0, %c0_i32, %c0_i32_0 : i32, i32, i32
  }
  func.func @transform_5(%arg0: i32) -> (i32, i32, i32) {
    %c0_i32 = arith.constant 0 : i32
    %c0_i32_0 = arith.constant 0 : i32
    %c0_i32_1 = arith.constant 0 : i32
    return %arg0, %c0_i32, %c0_i32_0 : i32, i32, i32
  }
}

</mosaic_0001>

<sc_bundles>
// kernel: kernel.4.cloned.1.call-start
scs
__scs_entry_jumppad:
0x0: {  	(pc) =	sbr.rel $0x88, $3  }
0x1: {  	(tag) =	ssettag $0x0;
	lr =	simm.s32 $0x1  }
0x2: {  	[smem:$0x3F9B] =	sst lr;
	_ =	strace $0xD0000000  }
0x3: {  	_ = 	snop  }
0x4: {  	_ = 	snop  }
0x5: {  	_ = 	snop  }
0x6: {  	_ = 	snop  }
0x7: {  	_ = 	snop  }
__scs_overlays_trampoline_lowered:
0x8: {  	[smem:$0x3FAA] =	sst s0  }
0x9: {  	[smem:$0x3FAB] =	sst s1  }
0xa: {  	[smem:$0x3FAC] =	sst s2  }
0xb: {  	[smem:$0x3FAD] =	sst s3  }
0xc: {  	[smem:$0x3FAE] =	sst s4  }
0xd: {  	[smem:$0x3FAF] =	sst s5  }
0xe: {  	[smem:$0x3FB0] =	sst s6  }
0xf: {  	[smem:$0x3FB1] =	sst s7  }
0x10: {  	[smem:$0x3FB2] =	sst s8  }
0x11: {  	[smem:$0x3FB3] =	sst s9;
	s0 =	simm.s32 @!p0 $0x0  }
0x12: {  	s1 =	sld [smem:$0x3F99];
	s0 =	simm.s32 @p0 $0x1  }
0x13: {  	[smem:$0x3FB4] =	sst s0;
	s0 =	simm.s32 @!p1 $0x0  }
0x14: {  	s2 =	sld [smem:$0x3F98];
	s0 =	simm.s32 @p1 $0x1  }
0x15: {  	[smem:$0x3FB5] =	sst s0;
	s0 =	simm.s32 @!p2 $0x0  }
0x16: {  	s3 =	sld [smem:$0x3FDB];
	s0 =	simm.s32 @p2 $0x1  }
0x17: {  	s4 =	simm.s32 $0x1BF5;
	[smem:$0x3FB7] =	sst s0  }
0x18: {  	s0 =	sld [smem:$0x3F9A];
	_ =	swait.ge [sflag:s4], $0x0  }
0x19: {  	s7 =	sld [smem:$0x3F9B]  }
0x1a: {  	s8 =	sadd.s32 $0xFFFFE003, lr  }
0x1b: {  	s9 =	sadd.s32 $0xFFFFFEF7, lr;
	s5 =	simm.s32 $0xFFFFFFFF;
	p2 =	slt.u32 s8, $0xFFFFF086  }
0x1c: {  	p1 =	slt.u32 s9, $0xF7A;
	s5 =	simm.s32 @!p2 $0x0  }
0x1d: {  	s5 =	simm.s32 @p1 $0x1;
	p0 =	seq.s32 s7, s2  }
0x1e: {  	s7 =	smul.u32 @!p0 $0xF7A, s2;
	p2 =	seq.s32 @!p0 s5, $0x0  }
0x1f: {  	s9 =	smul.u32 $0xF7A, s1;
	s8 =	simm.s32 @!p0 $0x1BF5;
	p2 =	por !p2, p0  }
0x20: {  	[sflag:s8] =	ssyncset.s32 @!p0 $0xFFFFF086;
	s6 =	sadd.s32 @!p0 s3, s7;
	s7 =	simm.s32 @!p0 $0x108  }
0x21: {  	s3 =	sadd.s32 s3, s9;
	s6 =	sadd.s32 @!p0 $0x88, s6;
	s7 =	simm.s32 @p2 $0x1082  }
0x22: {  	[simem:s7], [sflag:s8] =	dma.local @!p0 [hbm:s6], $0xF7A  }
0x23: {  	s9 =	sor.u32 $0xD0000000, s2;
	s6 =	simm.s32 $0x108;
	_ =	swait.ge @!p0 [sflag:s8], $0x0  }
0x24: {  	s3 =	sadd.s32 $0x88, s3;
	s6 =	simm.s32 @!p1 $0x1082;
	[sflag:s4] =	ssyncset.s32 $0xFFFFF086  }
0x25: {  	[simem:s6], [sflag:s4] =	dma.local [hbm:s3], $0xF7A  }
0x26: {  	[smem:$0x3F9B] =	sst s1;
	(tag) =	ssettag s2;
	_ =	strace s9  }
0x27: {  	s1 =	sld [smem:$0x3FAB]  }
0x28: {  	s2 =	sld [smem:$0x3FAC]  }
0x29: {  	s4 =	sld [smem:$0x3FAE]  }
0x2a: {  	p0 =	seq.s32 s5, $0x0;
	s5 =	sld [smem:$0x3FAF]  }
0x2b: {  	s6 =	sld [smem:$0x3FB0]  }
0x2c: {  	s7 =	sld [smem:$0x3FB1]  }
0x2d: {  	s3 =	simm.s32 $0x108;
	s8 =	sld [smem:$0x3FB2]  }
0x2e: {  	s3 =	simm.s32 @!p0 $0x1082;
	s9 =	sld [smem:$0x3FB3]  }
0x2f: {  	lr =	sadd.s32 s0, s3;
	s0 =	sld [smem:$0x3FAA]  }
0x30: {  	s3 =	sld [smem:$0x3FAD]  }
0x31: {  	[smem:$0x3FB6] =	sst s10  }
0x32: {  	s10 =	sld [smem:$0x3FB4];
	_ =	sdelay $0x3  }
0x33: {  	p0 =	seq.s32 s10, $0x1;
	s10 =	sld [smem:$0x3FB6];
	_ =	sdelay $0x3  }
0x34: {  	[smem:$0x3FB6] =	sst s10  }
0x35: {  	s10 =	sld [smem:$0x3FB5];
	_ =	sdelay $0x3  }
0x36: {  	p1 =	seq.s32 s10, $0x1;
	s10 =	sld [smem:$0x3FB6];
	_ =	sdelay $0x3  }
0x37: {  	[smem:$0x3FB6] =	sst s10  }
0x38: {  	s10 =	sld [smem:$0x3FB7]  }
0x39: {  	_ = 	snop;
	(pc) =	sbr.ind lr, $3  }
0x3a: {  	_ = 	snop  }
0x3b: {  	_ = 	snop  }
0x3c: {  	p2 =	seq.s32 s10, $0x1;
	s10 =	sld [smem:$0x3FB6]  }
0x3d: {  	_ =	shalt  }
0x3e: {  	_ =	shalt  }
0x3f: {  	_ =	shalt  }
0x40: {  	_ =	shalt  }
0x41: {  	_ =	shalt  }
0x42: {  	_ =	shalt  }
0x43: {  	_ =	shalt  }
0x44: {  	_ =	shalt  }
0x45: {  	_ =	shalt  }
0x46: {  	_ =	shalt  }
0x47: {  	_ =	shalt  }
0x48: {  	_ =	shalt  }
0x49: {  	_ =	shalt  }
0x4a: {  	_ =	shalt  }
0x4b: {  	_ =	shalt  }
0x4c: {  	_ =	shalt  }
0x4d: {  	_ =	shalt  }
0x4e: {  	_ =	shalt  }
0x4f: {  	_ =	shalt  }
0x50: {  	_ =	shalt  }
0x51: {  	_ =	shalt  }
0x52: {  	_ =	shalt  }
0x53: {  	_ =	shalt  }
0x54: {  	_ =	shalt  }
0x55: {  	_ =	shalt  }
0x56: {  	_ =	shalt  }
0x57: {  	_ =	shalt  }
0x58: {  	_ =	shalt  }
0x59: {  	_ =	shalt  }
0x5a: {  	_ =	shalt  }
0x5b: {  	_ =	shalt  }
0x5c: {  	_ =	shalt  }
0x5d: {  	_ =	shalt  }
0x5e: {  	_ =	shalt  }
0x5f: {  	_ =	shalt  }
0x60: {  	_ =	shalt  }
0x61: {  	_ =	shalt  }
0x62: {  	_ =	shalt  }
0x63: {  	_ =	shalt  }
0x64: {  	_ =	shalt  }
0x65: {  	_ =	shalt  }
0x66: {  	_ =	shalt  }
0x67: {  	_ =	shalt  }
0x68: {  	_ =	shalt  }
0x69: {  	_ =	shalt  }
0x6a: {  	_ =	shalt  }
0x6b: {  	_ =	shalt  }
0x6c: {  	_ =	shalt  }
0x6d: {  	_ =	shalt  }
0x6e: {  	_ =	shalt  }
0x6f: {  	_ =	shalt  }
0x70: {  	_ =	shalt  }
0x71: {  	_ =	shalt  }
0x72: {  	_ =	shalt  }
0x73: {  	_ =	shalt  }
0x74: {  	_ =	shalt  }
0x75: {  	_ =	shalt  }
0x76: {  	_ =	shalt  }
0x77: {  	_ =	shalt  }
0x78: {  	_ =	shalt  }
0x79: {  	_ =	shalt  }
0x7a: {  	_ =	shalt  }
0x7b: {  	_ =	shalt  }
0x7c: {  	_ =	shalt  }
0x7d: {  	_ =	shalt  }
0x7e: {  	_ =	shalt  }
0x7f: {  	_ =	shalt  }
0x80: {  	_ =	shalt  }
0x81: {  	_ =	shalt  }
0x82: {  	_ =	shalt  }
0x83: {  	_ =	shalt  }
0x84: {  	_ =	shalt  }
0x85: {  	_ =	shalt  }
0x86: {  	_ =	shalt  }
0x87: {  	_ =	shalt  }
.Lfunc_end0:
.L_simem_size_0:
called_computation_lowered:
.L_overlay_start_0:
0x88: {  	s2 =	sld [smem:$0x3FD9]  }
0x89: {  	s3 =	sld [smem:$0x3FFE];
	_ =	sdelay $0x1  }
0x8a: {  	s1 =	srdreg.scid  }
0x8b: {  	s0 =	sand.u32 $0x1, s1  }
0x8c: {  	s17 =	sshll.u32 s0, $0xA;
	s2 =	sadd.s32 s3, s2  }
0x8d: {  	s2 =	sadd.s32 s2, s17  }
0x8e: {  	[smem:$0x3FC2] =	sst s2  }
0x8f: {  	_ = 	snop  }
0x90: {  	s2 =	sld [smem:$0x3FC9]  }
0x91: {  	s18 =	sld [smem:$0x3FC7]  }
0x92: {  	s4 =	sld [smem:$0x3FD0];
	(tm) =	ssettm $0x1  }
0x93: {  	s5 =	sld [smem:$0x3FFB];
	_ =	sdelay $0x3  }
0x94: {  	_ =	strace s5  }
0x95: {  	s5 =	sld [smem:$0x3FFC];
	_ =	sdelay $0x3  }
0x96: {  	_ =	strace s5  }
0x97: {  	s5 =	sld [smem:$0x3FFD];
	_ =	sdelay $0x3  }
0x98: {  	_ =	strace s5  }
0x99: {  	_ =	strace $0x8FFFFFFF  }
0x9a: {  	s19 =	sld [smem:$0x3FDB];
	_ =	sdelay $0x1  }
0x9b: {  	s6 =	simm.s32 $_scs_section_size  }
0x9c: {  	s7 =	simm.s32 $_size__tile_overlayer_lowered;
	s8 =	simm.s32 $_tile_overlayer_lowered  }
0x9d: {  	s22 =	simm.s32 $0x1BFF;
	s21 =	sshll.u32 s8, $0x1;
	s5 =	sadd.s32 s6, s19  }
0x9e: {  	s9 =	simm.s32 $0x0;
	s20 =	sshll.u32 s7, $0x1;
	s7 =	sadd.s32 s21, s5  }
0x9f: {  	[timem:s9], [sflag:s22] =	dma.local [hbm:s7], s20  }
0xa0: {  	_ =	swait.ge [sflag:s22], s20  }
0xa1: {  	s6 =	ssub.s32 $0x0, s20;
	[sflag:s22] =	ssyncset.done $0x0  }
0xa2: {  	[sflag:s22] =	ssyncadd.s32 s6;
	_ =	sdelay $0x1  }
0xa3: {  	s23 =	simm.s32 $0x1B8B  }
0xa4: {  	_ =	swait.ge [sflag:s23], $0x1  }
0xa5: {  	[sflag:s23] =	ssyncset.done $0x0  }
0xa6: {  	s25 =	simm.s32 $0x1B8E;
	s24 =	sld [smem:$0x3FFE];
	[sflag:s23] =	ssyncadd.s32 $0xFFFFFFFF  }
0xa7: {  	s26 =	simm.s32 $execute0_lowered;
	[smem:$0x3FD2] =	sst s25  }
0xa8: {  	s7 =	sshll.u32 s26, $0x1;
	_ =	strace $0x80000046;
	[dreg:$0x1] =	wrdreg $0xFFFFFFFF  }
0xa9: {  	s28 =	simm.s32 $_size_execute0_lowered;
	s5 =	sadd.s32 s5, s7;
	[dreg:$0x0] =	wrdreg $0x0  }
0xaa: {  	s7 =	sshll.u32 s28, $0x1;
	[dreg:$0x2] =	wrdreg s5  }
0xab: {  	[dreg:$0x3] =	wrdreg s7  }
0xac: {  	[dreg:$0x4] =	wrdreg $0xC0  }
0xad: {  	_ =	task [dreg:s9], $0x5FFFF  }
0xae: {  	[dreg:$0x1] =	wrdreg $0xFFFFFFFF  }
0xaf: {  	[dreg:$0x0] =	wrdreg $0x60  }
0xb0: {  	[dreg:$0x2] =	wrdreg s24  }
0xb1: {  	[dreg:$0x3] =	wrdreg s2  }
0xb2: {  	[dreg:$0x4] =	wrdreg s18  }
0xb3: {  	[dreg:$0x5] =	wrdreg s4  }
0xb4: {  	[dreg:$0x6] =	wrdreg $0x194000  }
0xb5: {  	[dreg:$0x7] =	wrdreg $0x196800  }
0xb6: {  	[dreg:$0x8] =	wrdreg $0x199000  }
0xb7: {  	[dreg:$0x9] =	wrdreg $0x19B800  }
0xb8: {  	[dreg:$0xa] =	wrdreg $0x9  }
0xb9: {  	_ =	task.clear_ibuf [dreg:s9], $0xBFFFF;
	_ =	strace $0x90000046  }
0xba: {  	s29 =	simm.s32 $0x9;
	_ =	strace $0x80000051  }
0xbb: {  	_ =	swait.ge [sflag:s29], $0x1  }
0xbc: {  	[sflag:s29] =	ssyncadd.s32 $0xFFFFFFFF  }
0xbd: {  	_ =	strace $0x90000051  }
0xbe: {  	_ =	sfence  }
0xbf: {  	s30 =	sld [smem:$0x0];
	_ =	sdelay $0x2  }
0xc0: {  	s31 =	sshll.u32 s1, $0xD;
	s1 =	sshrl.u32 s1, $0x2  }
0xc1: {  	s3 =	sand.u32 $0x4000, s31;
	s1 =	sadd.s32 s1, s30  }
0xc2: {  	s0 =	sor.u32 s3, s0;
	s1 =	sshll.u32 s1, $0x11  }
0xc3: {  	s0 =	sor.u32 s1, s0  }
0xc4: {  	s0 =	sadd.s32 $0x8F2B, s0  }
0xc5: {  	[sflag:s0] =	ssyncadd.remote.s32 $0x1  }
0xc6: {  	_ =	sfence.sel $0xFFFF  }
0xc7: {  	[dreg:$0x0] =	wrdreg $0xFFFFFFFF;
	(pc) =	sbr.abs _section_cstart, $3  }
0xc8: {  	[dreg:$0x1] =	wrdreg $0xFFFFFFFF  }
0xc9: {  	_ =	task.clear_ibuf [dreg:s9], $0x2FFFF;
	_ =	strace $0x9FFFFFFF  }
0xca: {  	(tm) =	ssettm $0x7FFFFFFF  }
0xcb: {  	_ =	shalt  }
tec
execute0_lowered:
.L_overlay_start_1:
0x0: {  	(tag) =	ssettag $0x1  }
0x1: {  	s0 =	rddreg [dreg:$0x0]  }
0x2: {  	s1 =	rddreg [dreg:$0x1]  }
0x3: {  	s2 =	rddreg [dreg:$0x3]  }
0x4: {  	s3 =	rddreg [dreg:$0x4]  }
0x5: {  	s11 =	rddreg [dreg:$0x5]  }
0x6: {  	s5 =	rddreg [dreg:$0x6]  }
0x7: {  	s15 =	stileid.u32;
	s6 =	rddreg [dreg:$0x7];
	s7 =	simm.s32 $0x0  }
0x8: {  	s8 =	srdreg.scid;
	s19 =	simm.s32 $0x4E80;
	s21 =	simm.s32 $0x3  }
0x9: {  	s22 =	simm.s32 $0x1;
	s28 =	simm.s32 $0xF200;
	s29 =	simm.s32 $0xEE00  }
0xa: {  	s30 =	simm.s32 $0x19200;
	s31 =	simm.s32 $0x2;
	s4 =	smul.u32 $0x4E20, s15  }
0xb: {  	[smem:$0x7FF] =	sst s7;
	s8 =	sand.u32 $0x1, s8;
	s13 =	smul.u32 $0x280, s15  }
0xc: {  	s16 =	sshll.u32 s15, $0x4;
	_ =	strace $0x80000047;
	s23 =	ssub.s32 $0x2, s8  }
0xd: {  	s8 =	sshll.u32 s8, $0x4;
	s16 =	sand.u32 $0x70, s16;
	s4 =	sshrl.u32 s4, $0x3  }
0xe: {  	s9 =	sshrl.u32 s23, $0x1;
	s20 =	sor.u32 s15, s8;
	s10 =	sadd.s32 s13, s3  }
0xf: {  	s11 =	sadd.s32 s13, s11;
	s12 =	sadd.s32 s13, s5;
	s13 =	sadd.s32 s13, s6  }
0x10: {  	s15 =	sadd.s32 $0x4D8, s1;
	s2 =	sadd.s32 s2, s16;
	s24 =	smul.u32 $0x28, s20  }
0x11: {  	s0 =	sadd.s32 s4, s0;
	s4 =	ssub.s32 s23, s9;
	s25 =	smul.u32 $0x500, s20  }
0x12: {  	s26 =	sshll.u32 s20, $0x4;
	p0 =	sne.s32 s20, $0x1F;
	s20 =	simm.s32 $0xEB80  }
0x13: {  	s23 =	simm.s32 $0x4E20;
	s8 =	sadd.s32 $0x800, s0;
	s9 =	sadd.s32 $0xA440, s0  }
0x14: {  	s18 =	smax.u32 s4, $0x1;
	s14 =	sadd.s32 s1, s24;
	s0 =	sshrl.u32 s25, $0x2  }
0x15: {  	s1 =	sand.u32 $0x180, s26;
	s24 =	simm.s32 $0x9D00;
	s16 =	sadd.s32 s0, s6  }
0x16: {  	v0 =	vimm.f32 $1.000000000e+00;
	s17 =	sadd.s32 s1, s2;
	s2 =	simm.s32 $0x19380;
	s1 =	simm.s32 $0x0  }
.LBB2_1:
0x17: {  	_ =	strace $0x80000048  }
0x18: {  	[tilespmem:s7], [sflag:$0x1] =	stream.linear.gather [hbm4b:s8+s7], $0x4E20, $0x200038;
	[tilespmem:$0x19E00] =	vst v63  }
0x19: {  	_ = 	snop  }
0x1a: {  	[tilespmem:s19], [sflag:$0x1] =	stream.linear.gather [hbm4b:s9+s7], $0x4E20, $0x200038;
	[tilespmem:$0x19E00] =	vst v63  }
0x1b: {  	s4 =	simm.s32 $0x9D50;
	_ =	strace $0x90000048  }
0x1c: {  	_ =	strace $0x80000049;
	[tilespmem:s4+$0xFFFFFFC0] =	vst v0  }
0x1d: {  	[tilespmem:s4+$0xFFFFFFD0] =	vst v0  }
0x1e: {  	[tilespmem:s4+$0xFFFFFFE0] =	vst v0  }
0x1f: {  	[tilespmem:s4+$0xFFFFFFF0] =	vst v0  }
0x20: {  	[tilespmem:s4+$0x0] =	vst v0  }
0x21: {  	[tilespmem:s4+$0x10] =	vst v0  }
0x22: {  	[tilespmem:s4+$0x20] =	vst v0  }
0x23: {  	s0 =	sand.u32 $0x7FE0, s7;
	[tilespmem:s4+$0xFFFFFFB0] =	vst v0  }
0x24: {  	[tilespmem:s0+$0x9D80] =	vst v0  }
0x25: {  	s25 =	simm.s32 $0x0;
	s0 =	simm.s32 $0x0;
	[tilespmem:s4+$0x40] =	vst v0;
	s4 =	simm.s32 $0x9DF0  }
.LBB2_2:
0x26: {  	[tilespmem:s4+$0xFFFFFFC0] =	vst v0  }
0x27: {  	[tilespmem:s4+$0xFFFFFFD0] =	vst v0  }
0x28: {  	[tilespmem:s4+$0xFFFFFFE0] =	vst v0  }
0x29: {  	s0 =	sadd.s32 $0xA, s0;
	[tilespmem:s4+$0xFFFFFFF0] =	vst v0  }
0x2a: {  	p1 =	slt.u32 s0, $0x4D8;
	[tilespmem:s4+$0x0] =	vst v0  }
.Ltmp0:
0x2b: {  	[tilespmem:s4+$0x10] =	vst v0;
	(pc) =	sbr.rel @p1 .LBB2_2-.Ltmp0, $4  }
0x2c: {  	s25 =	sadd.s32 $0xA0, s25;
	[tilespmem:s4+$0x20] =	vst v0  }
0x2d: {  	s26 =	sand.u32 $0x7FE0, s25;
	[tilespmem:s4+$0xFFFFFFB0] =	vst v0  }
0x2e: {  	[tilespmem:s26+$0x9D80] =	vst v0  }
0x2f: {  	[tilespmem:s4+$0x40] =	vst v0;
	s4 =	sadd.s32 $0xA0, s4  }
0x30: {  	v0 =	vimm.f32 $0.0e+00  }
0x31: {  	[tilespmem:$0xEB80] =	vst v0  }
0x32: {  	[tilespmem:$0xEB90] =	vst v0  }
0x33: {  	[tilespmem:$0xEBA0] =	vst v0  }
0x34: {  	[tilespmem:$0xEBB0] =	vst v0  }
0x35: {  	[tilespmem:$0xEBC0] =	vst v0  }
0x36: {  	[tilespmem:$0xEBD0] =	vst v0  }
0x37: {  	[tilespmem:$0xEBE0] =	vst v0  }
0x38: {  	[tilespmem:$0xEBF0] =	vst v0  }
0x39: {  	[tilespmem:$0xEC00] =	vst v0  }
0x3a: {  	[tilespmem:$0xEC10] =	vst v0  }
0x3b: {  	[tilespmem:$0xEC20] =	vst v0  }
0x3c: {  	[tilespmem:$0xEC30] =	vst v0  }
0x3d: {  	[tilespmem:$0xEC40] =	vst v0  }
0x3e: {  	[tilespmem:$0xEC50] =	vst v0  }
0x3f: {  	[tilespmem:$0xEC60] =	vst v0  }
0x40: {  	[tilespmem:$0xEC70] =	vst v0  }
0x41: {  	[tilespmem:$0xEC80] =	vst v0  }
0x42: {  	[tilespmem:$0xEC90] =	vst v0  }
0x43: {  	[tilespmem:$0xECA0] =	vst v0  }
0x44: {  	[tilespmem:$0xECB0] =	vst v0  }
0x45: {  	[tilespmem:$0xECC0] =	vst v0  }
0x46: {  	[tilespmem:$0xECD0] =	vst v0  }
0x47: {  	[tilespmem:$0xECE0] =	vst v0  }
0x48: {  	[tilespmem:$0xECF0] =	vst v0  }
0x49: {  	[tilespmem:$0xED00] =	vst v0  }
0x4a: {  	[tilespmem:$0xED10] =	vst v0  }
0x4b: {  	[tilespmem:$0xED20] =	vst v0  }
0x4c: {  	[tilespmem:$0xED30] =	vst v0  }
0x4d: {  	[tilespmem:$0xED40] =	vst v0  }
0x4e: {  	[tilespmem:$0xED50] =	vst v0  }
0x4f: {  	[tilespmem:$0xED60] =	vst v0  }
0x50: {  	[tilespmem:$0xED70] =	vst v0  }
0x51: {  	[tilespmem:$0xED80] =	vst v0  }
0x52: {  	[tilespmem:$0xED90] =	vst v0  }
0x53: {  	[tilespmem:$0xEDA0] =	vst v0  }
0x54: {  	[tilespmem:$0xEDB0] =	vst v0  }
0x55: {  	[tilespmem:$0xEDC0] =	vst v0  }
0x56: {  	[tilespmem:$0xEDD0] =	vst v0  }
0x57: {  	[tilespmem:$0xEDE0] =	vst v0  }
0x58: {  	[tilespmem:$0xEDF0] =	vst v0  }
0x59: {  	[spmem:s10] =	stream.linear.scatter [tilespmem:s20], [sflag:$0x3], $0x280, $0x200038;
	[tilespmem:$0x19E00] =	vst v63  }
0x5a: {  	_ =	swait.ge [sflag:s21], $0x280  }
0x5b: {  	[sflag:s21] =	ssyncset.done $0x0  }
0x5c: {  	[sflag:s21] =	ssyncadd.s32 $0xFFFFFD80  }
0x5d: {  	[spmem:s11] =	stream.linear.scatter [tilespmem:s20], [sflag:$0x3], $0x280, $0x200038;
	[tilespmem:$0x19E00] =	vst v63  }
0x5e: {  	_ =	swait.ge [sflag:s21], $0x280  }
0x5f: {  	[sflag:s21] =	ssyncset.done $0x0  }
0x60: {  	[sflag:s21] =	ssyncadd.s32 $0xFFFFFD80  }
0x61: {  	[spmem:s12] =	stream.linear.scatter [tilespmem:s20], [sflag:$0x3], $0x280, $0x200038;
	[tilespmem:$0x19E00] =	vst v63  }
0x62: {  	_ =	swait.ge [sflag:s21], $0x280  }
0x63: {  	[sflag:s21] =	ssyncset.done $0x0  }
0x64: {  	[sflag:s21] =	ssyncadd.s32 $0xFFFFFD80  }
0x65: {  	[spmem:s13] =	stream.linear.scatter [tilespmem:s20], [sflag:$0x3], $0x280, $0x200038;
	[tilespmem:$0x19E00] =	vst v63  }
0x66: {  	_ =	swait.ge [sflag:s21], $0x280  }
0x67: {  	[sflag:s21] =	ssyncset.done $0x0  }
0x68: {  	[sflag:s21] =	ssyncadd.s32 $0xFFFFFD80  }
0x69: {  	_ =	swait.ge [sflag:s22], $0x4E20  }
0x6a: {  	[sflag:s22] =	ssyncset.done $0x0  }
0x6b: {  	[sflag:s22] =	ssyncadd.s32 $0xFFFFB1E0  }
0x6c: {  	_ =	swait.ge [sflag:s22], $0x4E20  }
0x6d: {  	[sflag:s22] =	ssyncset.done $0x0  }
0x6e: {  	[sflag:s22] =	ssyncadd.s32 $0xFFFFB1E0  }
0x6f: {  	[bflag:$0x0] =	sbarrier.arrive $0xFFFF  }
0x70: {  	_ =	strace $0x90000049  }
0x71: {  	_ =	strace $0x8000004A  }
0x72: {  	[spmem:s3] =	stream.indirect.scatter.add.f32 [tilespmem:s24], [sflag:$0x1], $0x1, s7, s23, $0x2000b8;
	[tilespmem:$0x19E00] =	vst v63  }
0x73: {  	s0 =	rddreg [dreg:$0x5]  }
0x74: {  	[spmem:s0] =	stream.indirect.scatter.add.f32 [tilespmem:s24], [sflag:$0x1], $0x1, s19, s23, $0x2000b8;
	[tilespmem:$0x19E00] =	vst v63  }
0x75: {  	_ =	swait.ge [sflag:s22], $0x4E20  }
0x76: {  	[sflag:s22] =	ssyncset.done $0x0  }
0x77: {  	[sflag:s22] =	ssyncadd.s32 $0xFFFFB1E0  }
0x78: {  	[bflag:$0x0] =	sbarrier.arrive $0xFFFF  }
0x79: {  	s4 =	simm.s32 @p0 $0xF080;
	s0 =	simm.s32 @p0 $0x0;
	_ =	strace $0x9000004A  }
0x7a: {  	[tilespmem:s4], [sflag:$0x3] =	stream.linear.gather @p0 [hbm4b:s14+s0], $0x140, $0x38;
	[tilespmem:$0x19E00] =	vst v63  }
0x7b: {  	s0 =	simm.s32 @p0 $0x3  }
0x7c: {  	_ =	swait.ge @p0 [sflag:s0], $0x140  }
0x7d: {  	[sflag:s0] =	ssyncset.done @p0 $0x0  }
0x7e: {  	v0 =	vimm.s32 @!p0 $0x0;
	[sflag:s0] =	ssyncadd.s32 @p0 $0xFFFFFEC0  }
0x7f: {  	[tilespmem:$0xF0D0] =	vst @!p0 v0  }
0x80: {  	[tilespmem:$0xF0E0] =	vst @!p0 v0  }
0x81: {  	[tilespmem:$0xF0F0] =	vst @!p0 v0  }
0x82: {  	[tilespmem:$0xF100] =	vst @!p0 v0  }
0x83: {  	[tilespmem:$0xF110] =	vst @!p0 v0  }
0x84: {  	[tilespmem:$0xF120] =	vst @!p0 v0  }
0x85: {  	[tilespmem:$0xF130] =	vst @!p0 v0  }
0x86: {  	[tilespmem:$0xF140] =	vst @!p0 v0  }
0x87: {  	[tilespmem:$0xF150] =	vst @!p0 v0  }
0x88: {  	[tilespmem:$0xF160] =	vst @!p0 v0  }
0x89: {  	[tilespmem:$0xF170] =	vst @!p0 v0  }
0x8a: {  	[tilespmem:$0xF180] =	vst @!p0 v0  }
0x8b: {  	[tilespmem:$0xF190] =	vst @!p0 v0  }
0x8c: {  	[tilespmem:$0xF1A0] =	vst @!p0 v0  }
0x8d: {  	s4 =	simm.s32 @!p0 $0xF080;
	s0 =	simm.s32 @!p0 $0x0;
	[tilespmem:$0xF1B0] =	vst @!p0 v0  }
0x8e: {  	[tilespmem:s4], [sflag:$0x3] =	stream.linear.gather @!p0 [hbm4b:s15+s0], $0x50, $0x38;
	[tilespmem:$0x19E00] =	vst v63  }
0x8f: {  	s0 =	simm.s32 @!p0 $0x3  }
0x90: {  	_ =	swait.ge @!p0 [sflag:s0], $0x50  }
0x91: {  	[sflag:s0] =	ssyncset.done @!p0 $0x0  }
0x92: {  	[sflag:s0] =	ssyncadd.s32 @!p0 $0xFFFFFFB0  }
0x93: {  	s26 =	simm.s32 $0x140;
	s25 =	simm.s32 $0xF080;
	s0 =	rddreg [dreg:$0x2]  }
0x94: {  	[tilespmem:s28], [sflag:$0x2] =	stream.indirect.gather [hbm4b:s0+s26], $0x80, s25, s26, $0xb8;
	[tilespmem:$0x19E00] =	vst v63  }
0x95: {  	_ =	strace $0x8000004B  }
0x96: {  	[tilespmem:s20], [sflag:$0x3] =	stream.linear.gather [spmem:s10], $0x280, $0x200038;
	[tilespmem:$0x19E00] =	vst v63  }
0x97: {  	_ =	swait.ge [sflag:s21], $0x280  }
0x98: {  	[sflag:s21] =	ssyncset.done $0x0  }
0x99: {  	s4 =	simm.s32 $0x40;
	s0 =	simm.s32 $0x0;
	[sflag:s21] =	ssyncadd.s32 $0xFFFFFD80  }
.LBB2_4:
0x9a: {  	p1 =	sne.s32 s4, $0x9C0;
	v0 =	vld [tilespmem:s0+$0xEB80];
	_ =	sdelay $0x4  }
0x9b: {  	v0 =	vmax.f32 v0, $1.000000000e+00  }
0x9c: {  	(erf) = vrcp.f32 v0;
	_ =	sdelay $0x5  }
.Ltmp1:
0x9d: {  	(pc) =	sbr.rel @p1 .LBB2_4-.Ltmp1, $3  }
0x9e: {  	_ =	sdelay $0x1  }
0x9f: {  	v0 =	vpop (erf)  }
0xa0: {  	[tilespmem:s0+$0xEB80] =	vst v0;
	s0 =	sshra.s32 s4, $0x2;
	s4 =	sadd.s32 $0x40, s4  }
0xa1: {  	v0 =	vld [tilespmem:s0+$0xEB80];
	_ =	sdelay $0x4  }
0xa2: {  	v0 =	vmax.f32 v0, $1.000000000e+00  }
0xa3: {  	(erf) = vrcp.f32 v0;
	_ =	sdelay $0x8  }
0xa4: {  	v0 =	vpop (erf)  }
0xa5: {  	[tilespmem:s0+$0xEB80] =	vst v0  }
0xa6: {  	[spmem:s10] =	stream.linear.scatter [tilespmem:s20], [sflag:$0x3], $0x280, $0x200038;
	[tilespmem:$0x19E00] =	vst v63  }
0xa7: {  	_ =	swait.ge [sflag:s21], $0x280  }
0xa8: {  	[sflag:s21] =	ssyncset.done $0x0  }
0xa9: {  	[sflag:s21] =	ssyncadd.s32 $0xFFFFFD80  }
0xaa: {  	[bflag:$0x0] =	sbarrier.arrive $0xFFFF  }
0xab: {  	_ =	strace $0x9000004B  }
0xac: {  	_ =	strace $0x8000004C  }
0xad: {  	_ =	swait.ge [sflag:s22], $0x4E20  }
0xae: {  	[sflag:s22] =	ssyncset.done $0x0  }
0xaf: {  	s26 =	simm.s32 $0x0;
	[sflag:s22] =	ssyncadd.s32 $0xFFFFB1E0  }
0xb0: {  	[tilespmem:s24], [sflag:$0x3] =	stream.indirect.gather [spmem:s3], $0x1, s26, s23, $0x2000b8;
	[tilespmem:$0x19E00] =	vst v63  }
0xb1: {  	_ =	swait.ge [sflag:s21], $0x4E20  }
0xb2: {  	[sflag:s21] =	ssyncset.done $0x0  }
0xb3: {  	[sflag:s21] =	ssyncadd.s32 $0xFFFFB1E0  }
0xb4: {  	[spmem:s5] =	stream.indirect.scatter.add.f32 [tilespmem:s24], [sflag:$0x3], $0x1, s19, s23, $0x2000b8;
	[tilespmem:$0x19E00] =	vst v63  }
0xb5: {  	_ =	swait.ge [sflag:s21], $0x4E20  }
0xb6: {  	[sflag:s21] =	ssyncset.done $0x0  }
0xb7: {  	[sflag:s21] =	ssyncadd.s32 $0xFFFFB1E0  }
0xb8: {  	[bflag:$0x0] =	sbarrier.arrive $0xFFFF  }
0xb9: {  	_ =	strace $0x9000004C  }
0xba: {  	_ =	strace $0x8000004D  }
0xbb: {  	[tilespmem:s20], [sflag:$0x3] =	stream.linear.gather [spmem:s12], $0x280, $0x200038;
	[tilespmem:$0x19E00] =	vst v63  }
0xbc: {  	_ =	swait.ge [sflag:s21], $0x280  }
0xbd: {  	[sflag:s21] =	ssyncset.done $0x0  }
0xbe: {  	[sflag:s21] =	ssyncadd.s32 $0xFFFFFD80  }
0xbf: {  	[tilespmem:s29], [sflag:$0x3] =	stream.linear.gather [spmem:s11], $0x280, $0x200038;
	[tilespmem:$0x19E00] =	vst v63  }
0xc0: {  	_ =	swait.ge [sflag:s21], $0x280  }
0xc1: {  	[sflag:s21] =	ssyncset.done $0x0  }
0xc2: {  	s4 =	simm.s32 $0x0;
	[sflag:s21] =	ssyncadd.s32 $0xFFFFFD80  }
0xc3: {  	v0 =	vld [tilespmem:s4+$0xEE00];
	_ =	sdelay $0x4  }
0xc4: {  	s0 =	simm.s32 $0x10;
	v0 =	vmax.f32 v0, $1.000000000e+00  }
0xc5: {  	(erf) = vrcp.f32 v0;
	v0 =	vld [tilespmem:s0+$0xEE00];
	_ =	sdelay $0x4  }
0xc6: {  	v1 =	vmax.f32 v0, $1.000000000e+00;
	v0 =	vld [tilespmem:s4+$0xEB80];
	_ =	sdelay $0x2  }
0xc7: {  	(erf) = vrcp.f32 v1  }
0xc8: {  	s25 =	simm.s32 $0x20;
	s26 =	simm.s32 $0xC0;
	v1 =	vpop (erf)  }
.LBB2_6:
0xc9: {  	p1 =	sne.s32 s26, $0x9C0;
	v2 =	vld [tilespmem:s25+$0xEE00];
	v0 =	vmul.f32 v1, v0;
	_ =	sdelay $0x1  }
0xca: {  	[tilespmem:s4+$0xEB80] =	vst v0;
	s4 =	smov.u32 s0;
	s0 =	smov.u32 s25  }
.Ltmp2:
0xcb: {  	v0 =	vld [tilespmem:s4+$0xEB80];
	(pc) =	sbr.rel @p1 .LBB2_6-.Ltmp2, $4  }
0xcc: {  	_ = 	snop  }
0xcd: {  	v2 =	vmax.f32 v2, $1.000000000e+00  }
0xce: {  	(erf) = vrcp.f32 v2  }
0xcf: {  	s25 =	sshra.s32 s26, $0x2;
	s26 =	sadd.s32 $0x40, s26;
	v1 =	vpop (erf)  }
0xd0: {  	v2 =	vld [tilespmem:s25+$0xEE00]  }
0xd1: {  	v0 =	vmul.f32 v1, v0;
	_ =	sdelay $0x1  }
0xd2: {  	[tilespmem:s4+$0xEB80] =	vst v0  }
0xd3: {  	v0 =	vld [tilespmem:s0+$0xEB80]  }
0xd4: {  	v1 =	vmax.f32 v2, $1.000000000e+00;
	_ =	sdelay $0x1  }
0xd5: {  	(erf) = vrcp.f32 v1  }
0xd6: {  	v1 =	vpop (erf)  }
0xd7: {  	v0 =	vmul.f32 v1, v0;
	_ =	sdelay $0x1  }
0xd8: {  	[tilespmem:s0+$0xEB80] =	vst v0  }
0xd9: {  	v0 =	vld [tilespmem:s25+$0xEB80];
	_ =	sdelay $0x3  }
0xda: {  	v1 =	vpop (erf)  }
0xdb: {  	v0 =	vmul.f32 v1, v0;
	_ =	sdelay $0x1  }
0xdc: {  	[tilespmem:s25+$0xEB80] =	vst v0  }
0xdd: {  	[spmem:s12] =	stream.linear.scatter [tilespmem:s20], [sflag:$0x3], $0x280, $0x200038;
	[tilespmem:$0x19E00] =	vst v63  }
0xde: {  	_ =	swait.ge [sflag:s21], $0x280  }
0xdf: {  	[sflag:s21] =	ssyncset.done $0x0  }
0xe0: {  	[sflag:s21] =	ssyncadd.s32 $0xFFFFFD80  }
0xe1: {  	[bflag:$0x0] =	sbarrier.arrive $0xFFFF  }
0xe2: {  	_ =	strace $0x9000004D  }
0xe3: {  	_ =	strace $0x8000004E  }
0xe4: {  	[tilespmem:s24], [sflag:$0x3] =	stream.indirect.gather [spmem:s5], $0x1, s19, s23, $0x2000b8;
	[tilespmem:$0x19E00] =	vst v63  }
0xe5: {  	_ =	swait.ge [sflag:s21], $0x4E20  }
0xe6: {  	[sflag:s21] =	ssyncset.done $0x0  }
0xe7: {  	s25 =	simm.s32 $0x0;
	[sflag:s21] =	ssyncadd.s32 $0xFFFFB1E0  }
0xe8: {  	[spmem:s6] =	stream.indirect.scatter.add.f32 [tilespmem:s24], [sflag:$0x3], $0x1, s25, s23, $0x2000b8;
	[tilespmem:$0x19E00] =	vst v63  }
0xe9: {  	_ =	swait.ge [sflag:s21], $0x4E20  }
0xea: {  	[sflag:s21] =	ssyncset.done $0x0  }
0xeb: {  	[sflag:s21] =	ssyncadd.s32 $0xFFFFB1E0  }
0xec: {  	[bflag:$0x0] =	sbarrier.arrive $0xFFFF  }
0xed: {  	_ =	strace $0x9000004E  }
0xee: {  	_ =	strace $0x8000004F  }
0xef: {  	[tilespmem:s30], [sflag:$0x3] =	stream.linear.gather [spmem:s16], $0x140, $0x200038;
	[tilespmem:$0x19E00] =	vst v63  }
0xf0: {  	_ =	swait.ge [sflag:s21], $0x140  }
0xf1: {  	[sflag:s21] =	ssyncset.done $0x0  }
0xf2: {  	[sflag:s21] =	ssyncadd.s32 $0xFFFFFEC0  }
0xf3: {  	_ =	swait.ge [sflag:s31], $0xA000  }
0xf4: {  	[sflag:s31] =	ssyncset.done $0x0  }
0xf5: {  	[sflag:s31] =	ssyncadd.s32 $0xFFFF6000  }
0xf6: {  	_ =	strace $0x9000004F  }
0xf7: {  	s0 =	simm.s32 $0xF600;
	_ =	strace $0x80000050  }
0xf8: {  	v31 =	vld [tilespmem:s0+$0x380]  }
0xf9: {  	v33 =	vld [tilespmem:s0+$0x390]  }
0xfa: {  	v34 =	vld [tilespmem:s0+$0x3A0]  }
0xfb: {  	v39 =	vld [tilespmem:s0+$0x3B0]  }
0xfc: {  	v41 =	vld [tilespmem:s0+$0x3C0]  }
0xfd: {  	v42 =	vld [tilespmem:s0+$0x3D0]  }
0xfe: {  	v43 =	vld [tilespmem:s0+$0x300]  }
0xff: {  	v50 =	vld [tilespmem:s0+$0x310]  }
0x100: {  	v53 =	vld [tilespmem:s0+$0x320]  }
0x101: {  	v54 =	vld [tilespmem:s0+$0x330]  }
0x102: {  	v55 =	vld [tilespmem:s0+$0x340]  }
0x103: {  	v56 =	vld [tilespmem:s0+$0x350]  }
0x104: {  	v18 =	vld [tilespmem:s0+$0x280]  }
0x105: {  	v51 =	vld [tilespmem:s0+$0x290]  }
0x106: {  	v52 =	vld [tilespmem:s0+$0x2A0]  }
0x107: {  	v49 =	vld [tilespmem:s0+$0x2B0]  }
0x108: {  	v48 =	vld [tilespmem:s0+$0x2C0]  }
0x109: {  	v17 =	vld [tilespmem:s0+$0x2D0]  }
0x10a: {  	v16 =	vld [tilespmem:s0+$0x200]  }
0x10b: {  	v13 =	vld [tilespmem:s0+$0x210]  }
0x10c: {  	v46 =	vld [tilespmem:s0+$0x220]  }
0x10d: {  	v45 =	vld [tilespmem:s0+$0x230]  }
0x10e: {  	v21 =	vld [tilespmem:s0+$0x240]  }
0x10f: {  	v0 =	vld [tilespmem:s0+$0x100]  }
0x110: {  	v22 =	vld [tilespmem:s0+$0x250]  }
0x111: {  	s26 =	simm.s32 $0x0;
	v38 =	vld [tilespmem:s0+$0x180]  }
0x112: {  	v24 =	vld [tilespmem:s26+$0x19200]  }
0x113: {  	v15 =	vld [tilespmem:s0+$0xFFFFFD00]  }
0x114: {  	[tilespmem:$0x1FF90] =	vst v0;
	v0 =	vld [tilespmem:s0+$0x120]  }
0x115: {  	v19 =	vld [tilespmem:s0+$0xFFFFFC80]  }
0x116: {  	v14 =	vld [tilespmem:s0+$0xFFFFFC00]  }
0x117: {  	v20 =	vld [tilespmem:s0+$0xFFFFFC10]  }
0x118: {  	v32 =	vld [tilespmem:s0+$0xFFFFFC90]  }
0x119: {  	v3 =	vbroadcast v24, $0xE;
	v2 =	vbroadcast v24, $0xF;
	[tilespmem:$0x1FFA0] =	vst v0;
	v0 =	vld [tilespmem:s0+$0x130]  }
0x11a: {  	v57 =	vld [tilespmem:s0+$0xFFFFFC20];
	v5 =	vbroadcast v24, $0xC;
	v4 =	vbroadcast v24, $0xD  }
0x11b: {  	v58 =	vld [tilespmem:s0+$0xFFFFFC30];
	v7 =	vbroadcast v24, $0xA;
	v6 =	vbroadcast v24, $0xB  }
0x11c: {  	v59 =	vld [tilespmem:s0+$0xFFFFFCA0];
	v26 =	vbroadcast v24, $0x0;
	v11 =	vbroadcast v24, $0x8  }
0x11d: {  	v61 =	vld [tilespmem:s0+$0xFFFFFCB0];
	v10 =	vbroadcast v24, $0x9;
	v25 =	vbroadcast v24, $0x1  }
0x11e: {  	v23 =	vbroadcast v24, $0x2;
	v20 =	vmul.f32 v20, v26;
	[tilespmem:$0x1FFB0] =	vst v0;
	v0 =	vld [tilespmem:s0+$0x140]  }
0x11f: {  	v1 =	vimm.f32 $0.0e+00;
	v62 =	vld [tilespmem:s0+$0xFFFFFD10];
	v60 =	vmul.f32 v14, v26;
	v14 =	vbroadcast v24, $0x6  }
0x120: {  	v36 =	vld [tilespmem:s0+$0x190];
	v32 =	vmul.f32 v32, v25;
	v57 =	vmul.f32 v57, v26;
	v20 =	vadd.f32 v20, v1  }
0x121: {  	v9 =	vld [tilespmem:s0+$0xFFFFFD30];
	v63 =	vmul.f32 v15, v23;
	v15 =	vmul.f32 v58, v26  }
0x122: {  	v8 =	vld [tilespmem:s0+$0xFFFFFD20];
	v19 =	vmul.f32 v19, v25;
	v60 =	vadd.f32 v60, v1;
	v58 =	vadd.f32 v32, v20  }
0x123: {  	v20 =	vadd.f32 v57, v1;
	v32 =	vadd.f32 v15, v1;
	v57 =	vmul.f32 v61, v25;
	[tilespmem:$0x1FFC0] =	vst v0;
	v0 =	vld [tilespmem:s0+$0x150]  }
0x124: {  	v62 =	vmul.f32 v62, v23;
	v60 =	vadd.f32 v19, v60;
	v19 =	vmul.f32 v59, v25;
	v59 =	vld [tilespmem:s0+$0xFFFFFD80]  }
0x125: {  	v1 =	vld [tilespmem:s0+$0xFFFFFDA0];
	v57 =	vadd.f32 v57, v32;
	v32 =	vmul.f32 v31, v2;
	v31 =	vmul.f32 v33, v2  }
0x126: {  	v9 =	vmul.f32 v9, v23;
	v15 =	vbroadcast v24, $0x7;
	v61 =	vld [tilespmem:s0+$0xFFFFFE10];
	v37 =	vadd.f32 v19, v20  }
0x127: {  	v20 =	vbroadcast v24, $0x4;
	v19 =	vbroadcast v24, $0x5;
	v60 =	vadd.f32 v63, v60;
	v63 =	vld [tilespmem:s0+$0xFFFFFDB0];
	[tilespmem:$0x1FEF0] =	vst v31  }
0x128: {  	v24 =	vbroadcast v24, $0x3;
	v58 =	vadd.f32 v62, v58;
	v62 =	vld [tilespmem:s0+$0xFFFFFE00];
	[tilespmem:$0x1FFE0] =	vst v0;
	v0 =	vimm.f32 $0.0e+00  }
0x129: {  	v8 =	vmul.f32 v8, v23;
	v31 =	vmul.f32 v39, v2;
	[tilespmem:$0x1FEE0] =	vst v0;
	v0 =	vld [tilespmem:s0+$0xFFFFFD90]  }
0x12a: {  	v9 =	vadd.f32 v9, v57;
	v57 =	vld [tilespmem:s0+$0xFFFFFE20];
	v39 =	vmul.f32 v43, v3;
	v59 =	vmul.f32 v59, v24  }
0x12b: {  	v8 =	vadd.f32 v8, v37;
	v1 =	vmul.f32 v1, v24;
	v43 =	vmul.f32 v61, v20;
	v61 =	vld [tilespmem:s0+$0xFFFFFEA0]  }
0x12c: {  	v37 =	vmul.f32 v41, v2;
	[tilespmem:$0x1FF00] =	vst v31;
	v31 =	vmul.f32 v55, v3;
	v59 =	vadd.f32 v59, v60;
	v60 =	vld [tilespmem:s0+$0xFFFFFE30]  }
0x12d: {  	v12 =	vld [tilespmem:s0+$0x1A0];
	v41 =	vmul.f32 v63, v24;
	v1 =	vadd.f32 v1, v8;
	v8 =	vmul.f32 v62, v20  }
0x12e: {  	v62 =	vld [tilespmem:s0+$0xFFFFFE90];
	[tilespmem:$0x1FF10] =	vst v31;
	v31 =	vmul.f32 v56, v3;
	v0 =	vmul.f32 v0, v24  }
0x12f: {  	v9 =	vadd.f32 v41, v9;
	v41 =	vmul.f32 v50, v3;
	v50 =	vmul.f32 v57, v20;
	v57 =	vld [tilespmem:s0+$0xFFFFFF00]  }
0x130: {  	v33 =	vmul.f32 v34, v2;
	[tilespmem:$0x1FF20] =	vst v31;
	v31 =	vmul.f32 v18, v4;
	v0 =	vadd.f32 v0, v58;
	v58 =	vld [tilespmem:s0+$0xFFFFFE80]  }
0x131: {  	v18 =	vmul.f32 v61, v19;
	v1 =	vadd.f32 v50, v1;
	v63 =	vmul.f32 v60, v20;
	v60 =	vld [tilespmem:s0+$0xFFFFFF10]  }
0x132: {  	v34 =	vmul.f32 v42, v2;
	v42 =	vmul.f32 v53, v3;
	v53 =	vld [tilespmem:s0+$0xFFFFFEB0]  }
0x133: {  	v56 =	vld [tilespmem:s0+$0xFFFFFF20];
	v1 =	vadd.f32 v18, v1;
	v9 =	vadd.f32 v63, v9  }
0x134: {  	v63 =	vmul.f32 v62, v19;
	v18 =	vmul.f32 v57, v14;
	v57 =	vld [tilespmem:s0+$0xFFFFFF90];
	v0 =	vadd.f32 v43, v0  }
0x135: {  	v8 =	vadd.f32 v8, v59;
	v50 =	vmul.f32 v58, v19;
	v58 =	vld [tilespmem:s0+$0xFFFFFF30]  }
0x136: {  	v59 =	vld [tilespmem:s0+$0xFFFFFF80];
	v55 =	vmul.f32 v60, v14;
	v0 =	vadd.f32 v63, v0  }
0x137: {  	v17 =	vmul.f32 v17, v4;
	v53 =	vmul.f32 v53, v19;
	v61 =	vld [tilespmem:s0+$0xFFFFFFB0];
	v8 =	vadd.f32 v50, v8  }
0x138: {  	v60 =	vld [tilespmem:s0+$0xFFFFFFA0];
	v43 =	vmul.f32 v54, v3;
	v54 =	vmul.f32 v16, v5;
	v0 =	vadd.f32 v55, v0  }
0x139: {  	v27 =	vld [tilespmem:s0+$0x1B0];
	v55 =	vmul.f32 v13, v5;
	v8 =	vadd.f32 v18, v8;
	v18 =	vmul.f32 v48, v4  }
0x13a: {  	v29 =	vld [tilespmem:s0+$0x1C0];
	[tilespmem:$0x1FF50] =	vst v17;
	v9 =	vadd.f32 v53, v9;
	v13 =	vmul.f32 v57, v15;
	v17 =	vmul.f32 v58, v14  }
0x13b: {  	v62 =	vld [tilespmem:s0+$0x0];
	v16 =	vmul.f32 v59, v15;
	[tilespmem:$0x1FF40] =	vst v18;
	v18 =	vmul.f32 v56, v14  }
0x13c: {  	v0 =	vadd.f32 v13, v0;
	v13 =	vmul.f32 v61, v15;
	v9 =	vadd.f32 v17, v9;
	v17 =	vld [tilespmem:s0+$0x20]  }
0x13d: {  	v30 =	vld [tilespmem:s0+$0x1D0];
	v8 =	vadd.f32 v16, v8;
	v16 =	vmul.f32 v60, v15;
	v1 =	vadd.f32 v18, v1  }
0x13e: {  	v44 =	vld [tilespmem:s0+$0x80];
	v9 =	vadd.f32 v13, v9  }
0x13f: {  	v35 =	vld [tilespmem:s0+$0x110];
	v13 =	vmul.f32 v22, v5;
	v1 =	vadd.f32 v16, v1;
	v16 =	vmul.f32 v21, v5  }
0x140: {  	v28 =	vld [tilespmem:s0+$0xA0];
	v22 =	vmul.f32 v12, v6;
	v12 =	vmul.f32 v29, v6  }
0x141: {  	v40 =	vld [tilespmem:s0+$0x90];
	[tilespmem:$0x1FF60] =	vst v16;
	v16 =	vmul.f32 v62, v11;
	v17 =	vmul.f32 v17, v11  }
0x142: {  	v49 =	vmul.f32 v49, v4;
	[tilespmem:$0x1FF80] =	vst v12;
	v12 =	vld [tilespmem:$0x1FF90]  }
0x143: {  	v47 =	vld [tilespmem:s0+$0xB0];
	v8 =	vadd.f32 v16, v8;
	v1 =	vadd.f32 v17, v1;
	v17 =	vmul.f32 v44, v10  }
0x144: {  	[tilespmem:$0x1FF30] =	vst v49;
	v49 =	vld [tilespmem:s0+$0xFFFFFFD0]  }
0x145: {  	v63 =	vld [tilespmem:s0+$0x30];
	v8 =	vadd.f32 v17, v8;
	v17 =	vmul.f32 v28, v10  }
0x146: {  	v53 =	vmul.f32 v40, v10;
	v40 =	vld [tilespmem:s0+$0xFFFFFF40]  }
0x147: {  	v57 =	vmul.f32 v45, v5;
	v45 =	vld [tilespmem:s0+$0xC0];
	v1 =	vadd.f32 v17, v1;
	v17 =	vmul.f32 v12, v7  }
0x148: {  	v61 =	vld [tilespmem:s0+$0xFFFFFF50]  }
0x149: {  	v50 =	vmul.f32 v51, v4;
	v8 =	vadd.f32 v17, v8;
	v17 =	vld [tilespmem:$0x1FFC0]  }
0x14a: {  	v51 =	vmul.f32 v52, v4;
	v52 =	vmul.f32 v63, v11;
	v63 =	vld [tilespmem:s0+$0xFFFFFED0]  }
0x14b: {  	v18 =	vld [tilespmem:s0+$0x10]  }
0x14c: {  	v12 =	vld [tilespmem:$0x1FFA0]  }
0x14d: {  	v58 =	vld [tilespmem:s0+$0x40]  }
0x14e: {  	v56 =	vmul.f32 v46, v5;
	v46 =	vld [tilespmem:s0+$0xFFFFFFC0];
	v17 =	vmul.f32 v17, v7  }
0x14f: {  	[tilespmem:$0x1FF70] =	vst v13;
	v16 =	vmul.f32 v38, v6;
	v38 =	vld [tilespmem:s0+$0x50]  }
0x150: {  	v35 =	vmul.f32 v35, v7;
	v13 =	vmul.f32 v18, v11;
	[tilespmem:$0x1FFD0] =	vst v17;
	v17 =	vld [tilespmem:$0x1FFE0]  }
0x151: {  	v45 =	vmul.f32 v45, v10;
	v59 =	vmul.f32 v12, v7;
	v12 =	vld [tilespmem:$0x1FFB0]  }
0x152: {  	v61 =	vmul.f32 v61, v14;
	v29 =	vmul.f32 v47, v10;
	v62 =	vld [tilespmem:s0+$0xFFFFFEC0];
	v0 =	vadd.f32 v13, v0  }
0x153: {  	v48 =	vld [tilespmem:s0+$0xD0];
	v63 =	vmul.f32 v63, v19;
	v21 =	vmul.f32 v27, v6;
	v9 =	vadd.f32 v52, v9  }
0x154: {  	v13 =	vmul.f32 v36, v6;
	v0 =	vadd.f32 v53, v0;
	v52 =	vmul.f32 v38, v11;
	v38 =	vld [tilespmem:s0+$0xFFFFFDD0]  }
0x155: {  	v9 =	vadd.f32 v29, v9;
	v18 =	vld [tilespmem:s0+$0xFFFFFDC0];
	v36 =	vmul.f32 v30, v6;
	v17 =	vmul.f32 v17, v7  }
0x156: {  	v53 =	vmul.f32 v58, v11;
	v0 =	vadd.f32 v35, v0;
	v60 =	vmul.f32 v12, v7;
	v12 =	vld [tilespmem:s0+$0xFFFFFE40]  }
0x157: {  	v44 =	vimm.f32 $0.0e+00;
	v58 =	vmul.f32 v46, v15;
	v62 =	vmul.f32 v62, v19;
	[tilespmem:$0x1FFF0] =	vst v17;
	v17 =	vld [tilespmem:s0+$0xFFFFFE50]  }
0x158: {  	v35 =	vmul.f32 v48, v10;
	v46 =	vadd.f32 v13, v0;
	v13 =	vld [tilespmem:s0+$0xFFFFFD50];
	v9 =	vadd.f32 v60, v9  }
0x159: {  	v47 =	vadd.f32 v16, v8;
	v16 =	vld [tilespmem:s0+$0xFFFFFD40];
	v8 =	vmul.f32 v38, v24;
	v1 =	vadd.f32 v59, v1  }
0x15a: {  	v38 =	vimm.f32 $0.0e+00;
	v0 =	vadd.f32 v21, v9;
	v9 =	vmul.f32 v18, v24;
	v18 =	vld [tilespmem:s0+$0xFFFFFC40]  }
0x15b: {  	v59 =	vmul.f32 v49, v15;
	v1 =	vadd.f32 v22, v1;
	v48 =	vmul.f32 v12, v20;
	v12 =	vld [tilespmem:s0+$0xFFFFFCC0]  }
0x15c: {  	s4 =	simm.s32 $0x40;
	v60 =	vmul.f32 v40, v14;
	v40 =	vimm.f32 $0.0e+00;
	v49 =	vmul.f32 v17, v20;
	v17 =	vld [tilespmem:s0+$0xFFFFFCD0]  }
.LBB2_8:
0x15d: {  	v1 =	vadd.f32 v56, v1;
	_ =	sdelay $0x1  }
0x15e: {  	v1 =	vadd.f32 v51, v1;
	_ =	sdelay $0x1  }
0x15f: {  	v22 =	vld [tilespmem:$0x1FF30];
	v1 =	vadd.f32 v42, v1;
	_ =	sdelay $0x1  }
0x160: {  	v1 =	vadd.f32 v33, v1  }
0x161: {  	v0 =	vadd.f32 v57, v0  }
0x162: {  	[tilespmem:$0x1FDC0] =	vst v1;
	v1 =	vld [tilespmem:$0x1FF00]  }
0x163: {  	v0 =	vadd.f32 v22, v0;
	_ =	sdelay $0x1  }
0x164: {  	v21 =	vld [tilespmem:s0+$0xFFFFFC50];
	v0 =	vadd.f32 v43, v0  }
0x165: {  	v47 =	vadd.f32 v54, v47;
	v54 =	vld [tilespmem:s0+$0xFFFFFC60]  }
0x166: {  	v46 =	vadd.f32 v55, v46;
	v55 =	vld [tilespmem:s0+$0xFFFFFC70];
	v0 =	vadd.f32 v1, v0  }
0x167: {  	v51 =	vld [tilespmem:s0+$0xFFFFFCF0]  }
0x168: {  	v46 =	vadd.f32 v50, v46;
	[tilespmem:$0x1FDD0] =	vst v0;
	v0 =	vld [tilespmem:$0x1FEE0]  }
0x169: {  	v16 =	vmul.f32 v16, v23;
	v47 =	vadd.f32 v31, v47;
	v50 =	vld [tilespmem:s0+$0xFFFFFCE0]  }
0x16a: {  	v21 =	vmul.f32 v21, v26;
	v56 =	vmul.f32 v54, v26;
	v41 =	vadd.f32 v41, v46;
	v46 =	vld [tilespmem:s0+$0xFFFFFD60]  }
0x16b: {  	v57 =	vld [tilespmem:s0+$0xFFFFFD70];
	v18 =	vmul.f32 v18, v26;
	v26 =	vmul.f32 v55, v26;
	v39 =	vadd.f32 v39, v47  }
0x16c: {  	v17 =	vmul.f32 v17, v25;
	v47 =	vld [tilespmem:s0+$0xFFFFFDE0];
	v31 =	vadd.f32 v56, v40;
	v1 =	vadd.f32 v21, v44  }
0x16d: {  	v12 =	vmul.f32 v12, v25;
	v26 =	vadd.f32 v26, v38;
	v21 =	vld [tilespmem:s0+$0xFFFFFDF0];
	v0 =	vadd.f32 v18, v0  }
0x16e: {  	v1 =	vadd.f32 v17, v1;
	v17 =	vld [tilespmem:s0+$0xFFFFFE70];
	v18 =	vmul.f32 v50, v25;
	v25 =	vmul.f32 v51, v25  }
0x16f: {  	v13 =	vmul.f32 v13, v23;
	v51 =	vld [tilespmem:s0+$0xFFFFFE60];
	v0 =	vadd.f32 v12, v0;
	v12 =	vmul.f32 v46, v23  }
0x170: {  	v18 =	vadd.f32 v18, v31;
	v25 =	vadd.f32 v25, v26;
	v23 =	vmul.f32 v57, v23;
	v26 =	vld [tilespmem:s0+$0xFFFFFEE0]  }
0x171: {  	v1 =	vadd.f32 v13, v1;
	v13 =	vmul.f32 v47, v24;
	v0 =	vadd.f32 v16, v0;
	v16 =	vld [tilespmem:s0+$0xFFFFFEF0]  }
0x172: {  	v21 =	vmul.f32 v21, v24;
	v12 =	vadd.f32 v12, v18;
	v18 =	vadd.f32 v23, v25;
	v23 =	vld [tilespmem:s0+$0xFFFFFF60]  }
0x173: {  	v1 =	vadd.f32 v8, v1;
	v17 =	vmul.f32 v17, v20;
	v0 =	vadd.f32 v9, v0;
	v9 =	vld [tilespmem:s0+$0xFFFFFF70]  }
0x174: {  	v8 =	vmul.f32 v51, v20;
	v12 =	vadd.f32 v13, v12;
	v13 =	vadd.f32 v21, v18;
	v18 =	vld [tilespmem:s0+$0xFFFFFFE0]  }
0x175: {  	v21 =	vld [tilespmem:s0+$0xFFFFFFF0];
	v20 =	vmul.f32 v26, v19  }
0x176: {  	v8 =	vadd.f32 v8, v12;
	v12 =	vadd.f32 v17, v13;
	v13 =	vmul.f32 v16, v19;
	v16 =	vld [tilespmem:s0+$0x60]  }
0x177: {  	v19 =	vld [tilespmem:s0+$0x70]  }
0x178: {  	v17 =	vmul.f32 v23, v14;
	v8 =	vadd.f32 v20, v8;
	v12 =	vadd.f32 v13, v12;
	v13 =	vld [tilespmem:s0+$0xE0]  }
0x179: {  	v0 =	vadd.f32 v48, v0;
	v9 =	vmul.f32 v9, v14;
	v14 =	vmul.f32 v18, v15;
	v18 =	vld [tilespmem:s0+$0xF0]  }
0x17a: {  	v22 =	vadd.f32 v32, v39;
	v8 =	vadd.f32 v17, v8;
	v17 =	vld [tilespmem:s0+$0x170]  }
0x17b: {  	v0 =	vadd.f32 v62, v0;
	v9 =	vadd.f32 v9, v12;
	v12 =	vmul.f32 v21, v15;
	v15 =	vld [tilespmem:s0+$0x160]  }
0x17c: {  	v1 =	vadd.f32 v49, v1;
	v16 =	vmul.f32 v16, v11;
	v8 =	vadd.f32 v14, v8;
	v14 =	vld [tilespmem:s0+$0x1F0]  }
0x17d: {  	v0 =	vadd.f32 v60, v0;
	v11 =	vmul.f32 v19, v11;
	v9 =	vadd.f32 v12, v9;
	v12 =	vld [tilespmem:s0+$0x1E0]  }
0x17e: {  	[tilespmem:$0x1FDA0] =	vst v22;
	v22 =	vld [tilespmem:$0x1FEF0];
	v1 =	vadd.f32 v63, v1;
	v13 =	vmul.f32 v13, v10;
	v8 =	vadd.f32 v16, v8  }
0x17f: {  	v0 =	vadd.f32 v58, v0;
	v10 =	vmul.f32 v18, v10;
	v16 =	vld [tilespmem:s0+$0x270];
	v9 =	vadd.f32 v11, v9  }
0x180: {  	v1 =	vadd.f32 v61, v1;
	v15 =	vmul.f32 v15, v7;
	v8 =	vadd.f32 v13, v8;
	v13 =	vld [tilespmem:$0x1FFD0]  }
0x181: {  	v0 =	vadd.f32 v53, v0;
	v11 =	vld [tilespmem:s0+$0x260];
	v7 =	vmul.f32 v17, v7;
	v9 =	vadd.f32 v10, v9  }
0x182: {  	s25 =	sshra.s32 s4, $0x2;
	v12 =	vmul.f32 v12, v6;
	v8 =	vadd.f32 v15, v8;
	v6 =	vmul.f32 v14, v6;
	v14 =	vld [tilespmem:$0x1FF80]  }
0x183: {  	v25 =	vld [tilespmem:s25+$0x19200];
	v1 =	vadd.f32 v59, v1;
	v0 =	vadd.f32 v45, v0  }
0x184: {  	v7 =	vadd.f32 v7, v9;
	v8 =	vadd.f32 v12, v8;
	v12 =	vld [tilespmem:$0x1FF60]  }
0x185: {  	v1 =	vadd.f32 v52, v1;
	v0 =	vadd.f32 v13, v0;
	v13 =	vld [tilespmem:$0x1FFF0]  }
0x186: {  	v10 =	vld [tilespmem:s0+$0x2E0];
	v11 =	vmul.f32 v11, v5;
	v5 =	vmul.f32 v16, v5;
	v6 =	vadd.f32 v6, v7  }
0x187: {  	v9 =	vld [tilespmem:s0+$0x360];
	v0 =	vadd.f32 v14, v0  }
0x188: {  	v1 =	vadd.f32 v35, v1;
	v5 =	vadd.f32 v5, v6;
	v6 =	vld [tilespmem:$0x1FF40]  }
0x189: {  	v0 =	vadd.f32 v12, v0;
	v12 =	vld [tilespmem:$0x1FF70]  }
0x18a: {  	v7 =	vld [tilespmem:s0+$0x3E0];
	v1 =	vadd.f32 v13, v1  }
0x18b: {  	v13 =	vld [tilespmem:s0+$0x2F0]  }
0x18c: {  	v14 =	vld [tilespmem:s0+$0x370];
	v1 =	vadd.f32 v36, v1  }
0x18d: {  	v0 =	vadd.f32 v6, v0;
	v6 =	vld [tilespmem:$0x1FF50]  }
0x18e: {  	v1 =	vadd.f32 v12, v1;
	v12 =	vld [tilespmem:s0+$0x3F0];
	s0 =	sadd.s32 $0x800, s0  }
0x18f: {  	v16 =	vld [tilespmem:s0+$0x380]  }
0x190: {  	v10 =	vmul.f32 v10, v4;
	v4 =	vmul.f32 v13, v4;
	v13 =	vld [tilespmem:s0+$0x390]  }
0x191: {  	v17 =	vld [tilespmem:s0+$0x3B0]  }
0x192: {  	v22 =	vadd.f32 v22, v41;
	v18 =	vld [tilespmem:s0+$0x3C0]  }
0x193: {  	v21 =	vld [tilespmem:s0+$0x330]  }
0x194: {  	[tilespmem:$0x1FDB0] =	vst v22;
	v22 =	vld [tilespmem:s0+$0x340]  }
0x195: {  	v27 =	vld [tilespmem:s0+$0x350]  }
0x196: {  	v28 =	vld [tilespmem:s0+$0x280]  }
0x197: {  	v29 =	vld [tilespmem:s0+$0x290]  }
0x198: {  	v30 =	vld [tilespmem:s0+$0x2A0]  }
0x199: {  	v52 =	vld [tilespmem:s0+$0x2B0]  }
0x19a: {  	v53 =	vld [tilespmem:s0+$0x2C0]  }
0x19b: {  	v54 =	vld [tilespmem:s0+$0x2D0]  }
0x19c: {  	v55 =	vld [tilespmem:s0+$0x200]  }
0x19d: {  	v46 =	vld [tilespmem:s0+$0x210]  }
0x19e: {  	v47 =	vld [tilespmem:s0+$0x220]  }
0x19f: {  	v48 =	vld [tilespmem:s0+$0x230]  }
0x1a0: {  	v4 =	vadd.f32 v4, v5;
	v5 =	vld [tilespmem:$0x1FF10]  }
0x1a1: {  	v49 =	vld [tilespmem:s0+$0x240]  }
0x1a2: {  	v58 =	vld [tilespmem:s0+$0x250]  }
0x1a3: {  	v59 =	vld [tilespmem:s0+$0x180]  }
0x1a4: {  	v60 =	vld [tilespmem:s0+$0x190]  }
0x1a5: {  	v8 =	vadd.f32 v11, v8;
	v0 =	vadd.f32 v5, v0;
	v5 =	vld [tilespmem:$0x1FF20]  }
0x1a6: {  	v61 =	vld [tilespmem:s0+$0x1A0]  }
0x1a7: {  	v8 =	vadd.f32 v10, v8;
	v62 =	vld [tilespmem:s0+$0x1B0];
	v1 =	vadd.f32 v6, v1;
	v6 =	vmul.f32 v9, v3  }
0x1a8: {  	v50 =	vld [tilespmem:s0+$0x1C0]  }
0x1a9: {  	v31 =	vld [tilespmem:s0+$0x1D0];
	v3 =	vmul.f32 v14, v3;
	v6 =	vadd.f32 v6, v8  }
0x1aa: {  	v51 =	vld [tilespmem:s0+$0x100];
	v0 =	vadd.f32 v37, v0;
	v1 =	vadd.f32 v5, v1;
	v5 =	vmul.f32 v7, v2  }
0x1ab: {  	v9 =	vld [tilespmem:s0+$0x3A0];
	v3 =	vadd.f32 v3, v4  }
0x1ac: {  	v33 =	vld [tilespmem:s0+$0x110];
	[tilespmem:$0x1FEE0] =	vst v0;
	v2 =	vmul.f32 v12, v2;
	v0 =	vadd.f32 v34, v1;
	v1 =	vadd.f32 v5, v6  }
0x1ad: {  	v38 =	vld [tilespmem:s0+$0x140]  }
0x1ae: {  	v39 =	vld [tilespmem:s0+$0x150];
	[tilespmem:$0x1FDF0] =	vst v1;
	v1 =	vadd.f32 v2, v3;
	v2 =	vbroadcast v25, $0xF  }
0x1af: {  	v40 =	vld [tilespmem:s0+$0x80]  }
0x1b0: {  	v12 =	vld [tilespmem:s0+$0x320];
	v9 =	vmul.f32 v9, v2  }
0x1b1: {  	[tilespmem:$0x1FE80] =	vst v1;
	v1 =	vld [tilespmem:s0+$0x310]  }
0x1b2: {  	v41 =	vld [tilespmem:s0+$0x90];
	[tilespmem:$0x1FE30] =	vst v9;
	v9 =	vmul.f32 v17, v2  }
0x1b3: {  	v42 =	vld [tilespmem:s0+$0xA0]  }
0x1b4: {  	v43 =	vld [tilespmem:s0+$0x10];
	v3 =	vbroadcast v25, $0xE;
	[tilespmem:$0x1FF00] =	vst v9;
	v9 =	vmul.f32 v18, v2  }
0x1b5: {  	v44 =	vld [tilespmem:s0+$0x50]  }
0x1b6: {  	v32 =	vld [tilespmem:s0+$0xFFFFFE00];
	[tilespmem:$0x1FE70] =	vst v9;
	v9 =	vmul.f32 v1, v3;
	v1 =	vmul.f32 v12, v3  }
0x1b7: {  	v45 =	vld [tilespmem:s0+$0xFFFFFC30]  }
0x1b8: {  	v35 =	vld [tilespmem:s0+$0xFFFFFD20];
	[tilespmem:$0x1FE10] =	vst v1;
	v1 =	vmul.f32 v21, v3  }
0x1b9: {  	v23 =	vbroadcast v25, $0x2;
	v10 =	vbroadcast v25, $0x9;
	v8 =	vld [tilespmem:s0+$0x3D0]  }
0x1ba: {  	v24 =	vbroadcast v25, $0x3;
	v34 =	vld [tilespmem:s0+$0x120];
	[tilespmem:$0x1FE20] =	vst v1;
	v1 =	vmul.f32 v22, v3  }
0x1bb: {  	v36 =	vld [tilespmem:s0+$0xFFFFFD30];
	v4 =	vbroadcast v25, $0xD;
	v63 =	vmul.f32 v40, v10  }
0x1bc: {  	v40 =	vld [tilespmem:s0+$0xFFFFFD00];
	v5 =	vbroadcast v25, $0xC;
	[tilespmem:$0x1FF10] =	vst v1;
	v1 =	vmul.f32 v27, v3  }
0x1bd: {  	v37 =	vld [tilespmem:s0+$0x130];
	v7 =	vbroadcast v25, $0xA;
	[tilespmem:$0x1FDE0] =	vst v0;
	v13 =	vmul.f32 v13, v2  }
0x1be: {  	v0 =	vld [tilespmem:s0+$0x300];
	v56 =	vmul.f32 v47, v5;
	[tilespmem:$0x1FF20] =	vst v1;
	v1 =	vmul.f32 v28, v4  }
0x1bf: {  	v8 =	vmul.f32 v8, v2;
	v47 =	vmul.f32 v34, v7;
	v34 =	vld [tilespmem:s0+$0xFFFFFCA0];
	[tilespmem:$0x1FEF0] =	vst v13  }
0x1c0: {  	v26 =	vbroadcast v25, $0x0;
	v13 =	vld [tilespmem:s0+$0xB0];
	[tilespmem:$0x1FE90] =	vst v1;
	v1 =	vmul.f32 v29, v4  }
0x1c1: {  	v20 =	vbroadcast v25, $0x4;
	v16 =	vmul.f32 v16, v2;
	v17 =	vld [tilespmem:s0+$0xC0];
	[tilespmem:$0x1FE50] =	vst v8  }
0x1c2: {  	v8 =	vmul.f32 v30, v4;
	v30 =	vld [tilespmem:s0+$0xFFFFFF90];
	[tilespmem:$0x1FE40] =	vst v1;
	v1 =	vmul.f32 v52, v4  }
0x1c3: {  	[tilespmem:$0x1FE60] =	vst v16;
	v16 =	vmul.f32 v41, v10;
	v41 =	vld [tilespmem:s0+$0xFFFFFD10];
	v0 =	vmul.f32 v0, v3  }
0x1c4: {  	v19 =	vbroadcast v25, $0x5;
	v18 =	vld [tilespmem:s0+$0xD0];
	[tilespmem:$0x1FF30] =	vst v1;
	v1 =	vmul.f32 v53, v4  }
0x1c5: {  	v15 =	vbroadcast v25, $0x7;
	v11 =	vbroadcast v25, $0x8;
	[tilespmem:$0x1FE00] =	vst v0;
	v0 =	vld [tilespmem:s0+$0x0]  }
0x1c6: {  	v6 =	vbroadcast v25, $0xB;
	v28 =	vld [tilespmem:s0+$0x40];
	[tilespmem:$0x1FF40] =	vst v1;
	v1 =	vmul.f32 v54, v4  }
0x1c7: {  	v14 =	vbroadcast v25, $0x6;
	v25 =	vbroadcast v25, $0x1;
	v29 =	vld [tilespmem:s0+$0xFFFFFF80]  }
0x1c8: {  	v12 =	vmul.f32 v31, v6;
	v31 =	vld [tilespmem:s0+$0xFFFFFE90];
	[tilespmem:$0x1FF50] =	vst v1;
	v1 =	vmul.f32 v49, v5  }
0x1c9: {  	v57 =	vmul.f32 v48, v5;
	v48 =	vmul.f32 v42, v10;
	v27 =	vld [tilespmem:s0+$0x30]  }
0x1ca: {  	v21 =	vmul.f32 v33, v7;
	v33 =	vld [tilespmem:s0+$0xFFFFFE10];
	[tilespmem:$0x1FF60] =	vst v1;
	v1 =	vmul.f32 v58, v5  }
0x1cb: {  	v52 =	vmul.f32 v44, v11;
	v44 =	vld [tilespmem:s0+$0xFFFFFC20];
	v53 =	vmul.f32 v28, v11  }
0x1cc: {  	v28 =	vmul.f32 v29, v15;
	v58 =	vld [tilespmem:s0+$0xFFFFFF00];
	[tilespmem:$0x1FF70] =	vst v1;
	v1 =	vmul.f32 v59, v6  }
0x1cd: {  	v22 =	vld [tilespmem:s0+$0x20];
	v49 =	vmul.f32 v51, v7;
	v51 =	vmul.f32 v17, v10  }
0x1ce: {  	v17 =	vmul.f32 v27, v11;
	v27 =	vld [tilespmem:s0+$0xFFFFFC00];
	[tilespmem:$0x1FEA0] =	vst v1;
	v1 =	vmul.f32 v60, v6  }
0x1cf: {  	v29 =	vmul.f32 v30, v15;
	v54 =	vmul.f32 v55, v5;
	v59 =	vld [tilespmem:s0+$0xFFFFFF10]  }
0x1d0: {  	v55 =	vmul.f32 v46, v5;
	v60 =	vld [tilespmem:s0+$0xFFFFFE80];
	[tilespmem:$0x1FEB0] =	vst v1;
	v1 =	vmul.f32 v61, v6  }
0x1d1: {  	v42 =	vmul.f32 v58, v14;
	v58 =	vmul.f32 v44, v26;
	v44 =	vld [tilespmem:$0x1FDA0]  }
0x1d2: {  	v61 =	vmul.f32 v0, v11;
	v0 =	vld [tilespmem:s0+$0xFFFFFC80];
	[tilespmem:$0x1FEC0] =	vst v1;
	v1 =	vmul.f32 v62, v6  }
0x1d3: {  	v30 =	vld [tilespmem:s0+$0xFFFFFC10];
	v46 =	vmul.f32 v37, v7;
	v27 =	vmul.f32 v27, v26  }
0x1d4: {  	v37 =	vld [tilespmem:s0+$0xFFFFFCB0];
	v62 =	vmul.f32 v22, v11;
	[tilespmem:$0x1FED0] =	vst v1;
	v1 =	vmul.f32 v50, v6  }
0x1d5: {  	v22 =	vld [tilespmem:s0+$0xFFFFFC90];
	v50 =	vmul.f32 v18, v10;
	v18 =	vmul.f32 v43, v11  }
0x1d6: {  	v43 =	vmul.f32 v59, v14;
	v59 =	vmul.f32 v60, v19;
	v27 =	vadd.f32 v27, v44;
	v44 =	vld [tilespmem:$0x1FDB0]  }
0x1d7: {  	v60 =	vmul.f32 v45, v26;
	v45 =	vld [tilespmem:$0x1FDC0];
	v0 =	vmul.f32 v0, v25  }
0x1d8: {  	[tilespmem:$0x1FF80] =	vst v1;
	v1 =	vmul.f32 v38, v7;
	v38 =	vld [tilespmem:s0+$0xFFFFFD80]  }
0x1d9: {  	v30 =	vmul.f32 v30, v26;
	v0 =	vadd.f32 v0, v27;
	v27 =	vmul.f32 v35, v23;
	v35 =	vmovc v50;
	v50 =	vld [tilespmem:$0x1FE40]  }
0x1da: {  	[tilespmem:$0x1FFD0] =	vst v1;
	v1 =	vmul.f32 v39, v7;
	v39 =	vld [tilespmem:s0+$0xFFFFFD90]  }
0x1db: {  	v40 =	vmul.f32 v40, v23;
	v30 =	vadd.f32 v30, v44;
	v44 =	vld [tilespmem:s0+$0xFFFFFDB0]  }
0x1dc: {  	v22 =	vmul.f32 v22, v25;
	v58 =	vadd.f32 v58, v45;
	v45 =	vld [tilespmem:$0x1FDD0]  }
0x1dd: {  	v0 =	vadd.f32 v40, v0;
	v40 =	vld [tilespmem:s0+$0xFFFFFEB0]  }
0x1de: {  	v41 =	vmul.f32 v41, v23;
	[tilespmem:$0x1FFF0] =	vst v1;
	v1 =	vld [tilespmem:s0+$0xFFFFFDA0];
	v38 =	vmul.f32 v38, v24;
	v22 =	vadd.f32 v22, v30  }
0x1df: {  	v34 =	vmul.f32 v34, v25;
	v30 =	vld [tilespmem:s0+$0xFFFFFE30]  }
0x1e0: {  	v39 =	vmul.f32 v39, v24;
	v22 =	vadd.f32 v41, v22;
	v0 =	vadd.f32 v38, v0;
	v38 =	vld [tilespmem:s0+$0xFFFFFEC0]  }
0x1e1: {  	v37 =	vmul.f32 v37, v25;
	v60 =	vadd.f32 v60, v45;
	v45 =	vld [tilespmem:s0+$0xFFFFFE20]  }
0x1e2: {  	v32 =	vmul.f32 v32, v20;
	v34 =	vadd.f32 v34, v58;
	v22 =	vadd.f32 v39, v22;
	v39 =	vld [tilespmem:s0+$0xFFFFFF30]  }
0x1e3: {  	v36 =	vmul.f32 v36, v23;
	v33 =	vmul.f32 v33, v20;
	v58 =	vadd.f32 v37, v60;
	v37 =	vld [tilespmem:s0+$0xFFFFFEA0]  }
0x1e4: {  	v27 =	vadd.f32 v27, v34;
	v1 =	vmul.f32 v1, v24;
	v0 =	vadd.f32 v32, v0;
	v32 =	vld [tilespmem:$0x1FE60]  }
0x1e5: {  	v60 =	vmul.f32 v44, v24;
	v34 =	vadd.f32 v36, v58;
	v36 =	vld [tilespmem:s0+$0xFFFFFF20]  }
0x1e6: {  	v44 =	vld [tilespmem:$0x1FDE0];
	v1 =	vadd.f32 v1, v27;
	v22 =	vadd.f32 v33, v22;
	v58 =	vmul.f32 v45, v20  }
0x1e7: {  	v31 =	vmul.f32 v31, v19;
	v0 =	vadd.f32 v59, v0;
	v27 =	vadd.f32 v60, v34;
	v34 =	vld [tilespmem:s0+$0xFFFFFFA0]  }
0x1e8: {  	v33 =	vld [tilespmem:s0+$0xFFFFFFB0];
	v60 =	vmul.f32 v37, v19;
	v1 =	vadd.f32 v58, v1  }
0x1e9: {  	v22 =	vadd.f32 v31, v22;
	v0 =	vadd.f32 v42, v0;
	v42 =	vld [tilespmem:$0x1FE10]  }
0x1ea: {  	v45 =	vmovc v51;
	v51 =	vmov v8;
	v8 =	vld [tilespmem:$0x1FEA0];
	v31 =	vmul.f32 v36, v14;
	v1 =	vadd.f32 v60, v1  }
0x1eb: {  	v30 =	vmul.f32 v30, v20;
	v58 =	vld [tilespmem:s0+$0xFFFFFFC0];
	v22 =	vadd.f32 v43, v22  }
0x1ec: {  	v43 =	vld [tilespmem:$0x1FE20];
	v0 =	vadd.f32 v28, v0;
	v34 =	vmul.f32 v34, v15;
	v1 =	vadd.f32 v31, v1  }
0x1ed: {  	v37 =	vld [tilespmem:s0+$0xFFFFFF50];
	v27 =	vadd.f32 v30, v27;
	v30 =	vmul.f32 v40, v19  }
0x1ee: {  	v28 =	vld [tilespmem:s0+$0xFFFFFE40];
	v0 =	vadd.f32 v61, v0;
	v1 =	vadd.f32 v34, v1  }
0x1ef: {  	v40 =	vld [tilespmem:$0x1FDF0];
	v27 =	vadd.f32 v30, v27;
	v30 =	vmul.f32 v39, v14  }
0x1f0: {  	v36 =	vld [tilespmem:s0+$0xFFFFFFD0];
	v0 =	vadd.f32 v63, v0;
	v1 =	vadd.f32 v62, v1  }
0x1f1: {  	v60 =	vld [tilespmem:s0+$0xFFFFFF40];
	v22 =	vadd.f32 v29, v22;
	v27 =	vadd.f32 v30, v27;
	v30 =	vmul.f32 v33, v15  }
0x1f2: {  	v29 =	vld [tilespmem:s0+$0xFFFFFE50];
	v0 =	vadd.f32 v49, v0;
	v1 =	vadd.f32 v48, v1  }
0x1f3: {  	v39 =	vld [tilespmem:$0x1FE00];
	v18 =	vadd.f32 v18, v22;
	v27 =	vadd.f32 v30, v27  }
0x1f4: {  	v1 =	vadd.f32 v47, v1;
	v47 =	vadd.f32 v8, v0;
	v0 =	vld [tilespmem:$0x1FEB0]  }
0x1f5: {  	v13 =	vmul.f32 v13, v10;
	v31 =	vld [tilespmem:s0+$0xFFFFFED0];
	v18 =	vadd.f32 v16, v18;
	v17 =	vadd.f32 v17, v27  }
0x1f6: {  	v22 =	vld [tilespmem:s0+$0xFFFFFDC0]  }
0x1f7: {  	v33 =	vld [tilespmem:$0x1FE30];
	v18 =	vadd.f32 v21, v18;
	v17 =	vadd.f32 v13, v17  }
0x1f8: {  	v61 =	vmul.f32 v37, v14;
	v37 =	vld [tilespmem:$0x1FE70]  }
0x1f9: {  	v48 =	vmul.f32 v28, v20;
	v28 =	vadd.f32 v46, v17;
	v46 =	vadd.f32 v0, v18;
	v0 =	vld [tilespmem:$0x1FEC0]  }
0x1fa: {  	v34 =	vld [tilespmem:$0x1FE50]  }
0x1fb: {  	v16 =	vld [tilespmem:s0+$0xFFFFFD40]  }
0x1fc: {  	v59 =	vmul.f32 v36, v15;
	v36 =	vmov v12;
	v12 =	vld [tilespmem:s0+$0xFFFFFCC0]  }
0x1fd: {  	v27 =	vld [tilespmem:s0+$0xFFFFFDD0]  }
0x1fe: {  	p1 =	sne.s32 s4, $0x4C0;
	v1 =	vadd.f32 v0, v1;
	v0 =	vld [tilespmem:$0x1FED0]  }
.Ltmp3:
0x1ff: {  	v62 =	vmul.f32 v38, v19;
	v38 =	vld [tilespmem:$0x1FE80];
	(pc) =	sbr.rel @p1 .LBB2_8-.Ltmp3, $4  }
0x200: {  	v63 =	vmul.f32 v31, v19;
	v31 =	vld [tilespmem:$0x1FE90]  }
0x201: {  	v58 =	vmul.f32 v58, v15;
	v13 =	vld [tilespmem:s0+$0xFFFFFD50]  }
0x202: {  	v60 =	vmul.f32 v60, v14;
	v49 =	vmul.f32 v29, v20;
	v17 =	vld [tilespmem:s0+$0xFFFFFCD0]  }
0x203: {  	s4 =	sadd.s32 $0x40, s4;
	v41 =	vmovc v9;
	v9 =	vmul.f32 v22, v24;
	v8 =	vmul.f32 v27, v24;
	v18 =	vld [tilespmem:s0+$0xFFFFFC40];
	v0 =	vadd.f32 v0, v28  }
0x204: {  	v27 =	vld [tilespmem:s0+$0xFFFFFC50]  }
0x205: {  	v28 =	vld [tilespmem:s0+$0xFFFFFC60]  }
0x206: {  	v29 =	vld [tilespmem:s0+$0xFFFFFC70]  }
0x207: {  	v30 =	vld [tilespmem:$0x1FF30]  }
0x208: {  	v21 =	vadd.f32 v54, v47;
	v47 =	vld [tilespmem:$0x1FF00]  }
0x209: {  	v54 =	vld [tilespmem:s0+$0xFFFFFD70]  }
0x20a: {  	v22 =	vadd.f32 v55, v46;
	v55 =	vld [tilespmem:s0+$0xFFFFFDE0]  }
0x20b: {  	v1 =	vadd.f32 v56, v1;
	v56 =	vld [tilespmem:s0+$0xFFFFFDF0]  }
0x20c: {  	v22 =	vadd.f32 v50, v22;
	v50 =	vld [tilespmem:s0+$0xFFFFFD60]  }
0x20d: {  	v21 =	vadd.f32 v31, v21;
	v1 =	vadd.f32 v51, v1;
	v51 =	vld [tilespmem:$0x1FEE0]  }
0x20e: {  	v0 =	vadd.f32 v57, v0;
	v22 =	vadd.f32 v41, v22;
	v41 =	vld [tilespmem:s0+$0xFFFFFCE0]  }
0x20f: {  	v21 =	vadd.f32 v39, v21;
	v1 =	vadd.f32 v42, v1;
	v42 =	vld [tilespmem:$0x1FEF0]  }
0x210: {  	v39 =	vld [tilespmem:s0+$0xFFFFFE70]  }
0x211: {  	v0 =	vadd.f32 v30, v0;
	v21 =	vadd.f32 v32, v21;
	v32 =	vld [tilespmem:s0+$0x1E0]  }
0x212: {  	v46 =	vmul.f32 v29, v26;
	v1 =	vadd.f32 v33, v1;
	v33 =	vld [tilespmem:s0+$0x1F0]  }
0x213: {  	v12 =	vmul.f32 v12, v25;
	v27 =	vmul.f32 v27, v26;
	v0 =	vadd.f32 v43, v0;
	v43 =	vld [tilespmem:s0+$0xFFFFFCF0]  }
0x214: {  	v18 =	vmul.f32 v18, v26;
	v28 =	vmul.f32 v28, v26;
	v26 =	vadd.f32 v46, v38;
	v38 =	vld [tilespmem:s0+$0xFFFFFE60]  }
0x215: {  	v16 =	vmul.f32 v16, v23;
	v13 =	vmul.f32 v13, v23;
	v27 =	vadd.f32 v27, v44;
	v44 =	vld [tilespmem:s0+$0xFFFFFEF0]  }
0x216: {  	v17 =	vmul.f32 v17, v25;
	v18 =	vadd.f32 v18, v51;
	v28 =	vadd.f32 v28, v40;
	v46 =	vld [tilespmem:s0+$0xFFFFFF60]  }
0x217: {  	v29 =	vmul.f32 v50, v23;
	v51 =	vld [tilespmem:s0+$0xFFFFFF70];
	v22 =	vadd.f32 v42, v22;
	v30 =	vmul.f32 v41, v25  }
0x218: {  	v40 =	vmul.f32 v54, v23;
	v54 =	vld [tilespmem:s0+$0xFFFFFFE0];
	v12 =	vadd.f32 v12, v18;
	v17 =	vadd.f32 v17, v27  }
0x219: {  	v0 =	vadd.f32 v47, v0;
	v41 =	vld [tilespmem:s0+$0xFFFFFEE0];
	v18 =	vmul.f32 v56, v24;
	v28 =	vadd.f32 v30, v28  }
0x21a: {  	v56 =	vld [tilespmem:s0+$0xFFFFFFF0];
	v12 =	vadd.f32 v16, v12;
	v13 =	vadd.f32 v13, v17;
	v57 =	vmul.f32 v43, v25  }
0x21b: {  	v16 =	vmul.f32 v39, v20;
	v30 =	vld [tilespmem:s0+$0x170];
	v43 =	vmul.f32 v55, v24;
	v42 =	vadd.f32 v29, v28  }
0x21c: {  	v39 =	vld [tilespmem:s0+$0x260];
	v50 =	vmul.f32 v38, v20;
	v9 =	vadd.f32 v9, v12;
	v25 =	vadd.f32 v57, v26  }
0x21d: {  	v8 =	vadd.f32 v8, v13;
	v12 =	vmul.f32 v44, v19;
	v28 =	vld [tilespmem:s0+$0x160];
	v47 =	vadd.f32 v43, v42  }
0x21e: {  	v13 =	vmul.f32 v46, v14;
	v44 =	vld [tilespmem:s0+$0x2E0];
	v9 =	vadd.f32 v48, v9;
	v23 =	vadd.f32 v40, v25  }
0x21f: {  	v46 =	vld [tilespmem:s0+$0x2F0];
	v17 =	vmul.f32 v41, v19;
	v8 =	vadd.f32 v49, v8;
	v55 =	vadd.f32 v50, v47  }
0x220: {  	v57 =	vld [tilespmem:s0+$0x60];
	v9 =	vadd.f32 v62, v9;
	v18 =	vadd.f32 v18, v23  }
0x221: {  	v26 =	vld [tilespmem:s0+$0xF0];
	v8 =	vadd.f32 v63, v8;
	v17 =	vadd.f32 v17, v55  }
0x222: {  	v63 =	vld [tilespmem:s0+$0xE0];
	v9 =	vadd.f32 v60, v9;
	v16 =	vadd.f32 v16, v18  }
0x223: {  	v25 =	vmul.f32 v54, v15;
	v60 =	vld [tilespmem:s0+$0x70];
	v13 =	vadd.f32 v13, v17  }
0x224: {  	v41 =	vld [tilespmem:s0+$0x270];
	v62 =	vmul.f32 v51, v14;
	v9 =	vadd.f32 v58, v9;
	v12 =	vadd.f32 v12, v16  }
0x225: {  	v43 =	vld [tilespmem:$0x1FFF0];
	v8 =	vadd.f32 v61, v8;
	v29 =	vmul.f32 v57, v11;
	v13 =	vadd.f32 v25, v13  }
0x226: {  	v27 =	vmul.f32 v56, v15;
	v40 =	vld [tilespmem:$0x1FFD0];
	v9 =	vadd.f32 v53, v9;
	v12 =	vadd.f32 v62, v12  }
0x227: {  	v48 =	vld [tilespmem:s0+$0x360];
	v8 =	vadd.f32 v59, v8;
	v16 =	vmul.f32 v63, v10;
	v13 =	vadd.f32 v29, v13  }
0x228: {  	v31 =	vmul.f32 v60, v11;
	v9 =	vadd.f32 v45, v9;
	v45 =	vld [tilespmem:$0x1FF80];
	v12 =	vadd.f32 v27, v12  }
0x229: {  	v49 =	vld [tilespmem:$0x1FF60];
	v15 =	vmul.f32 v28, v7;
	v8 =	vadd.f32 v52, v8  }
0x22a: {  	v54 =	vld [tilespmem:$0x1FF40];
	v38 =	vmul.f32 v26, v10;
	v13 =	vadd.f32 v16, v13;
	v11 =	vadd.f32 v31, v12  }
0x22b: {  	v42 =	vmul.f32 v30, v7;
	v57 =	vld [tilespmem:$0x1FF50];
	v8 =	vadd.f32 v35, v8;
	v9 =	vadd.f32 v40, v9  }
0x22c: {  	v14 =	vmul.f32 v32, v6;
	v52 =	vld [tilespmem:$0x1FF70];
	v13 =	vadd.f32 v15, v13;
	v10 =	vadd.f32 v38, v11  }
0x22d: {  	v47 =	vmul.f32 v33, v6;
	v59 =	vld [tilespmem:$0x1FF10];
	v8 =	vadd.f32 v43, v8;
	v9 =	vadd.f32 v45, v9  }
0x22e: {  	v53 =	vld [tilespmem:s0+$0x3E0];
	v12 =	vmul.f32 v39, v5;
	v13 =	vadd.f32 v14, v13;
	v7 =	vadd.f32 v42, v10  }
0x22f: {  	v50 =	vld [tilespmem:s0+$0x370];
	v51 =	vmul.f32 v41, v5;
	v8 =	vadd.f32 v36, v8;
	v9 =	vadd.f32 v49, v9  }
0x230: {  	v60 =	vld [tilespmem:$0x1FF20];
	v11 =	vmul.f32 v44, v4;
	v12 =	vadd.f32 v12, v13;
	v6 =	vadd.f32 v47, v7  }
0x231: {  	v56 =	vmul.f32 v46, v4;
	v55 =	vld [tilespmem:s0+$0x3F0];
	v7 =	vadd.f32 v52, v8;
	v9 =	vadd.f32 v54, v9  }
0x232: {  	v10 =	vmul.f32 v48, v3;
	v58 =	vadd.f32 v11, v12;
	v5 =	vadd.f32 v51, v6  }
0x233: {  	[tilespmem:$0x193A0] =	vst v1;
	v1 =	vmul.f32 v53, v2;
	v6 =	vadd.f32 v57, v7;
	v9 =	vadd.f32 v59, v9  }
0x234: {  	[tilespmem:$0x19380] =	vst v21;
	v3 =	vmul.f32 v50, v3;
	v61 =	vadd.f32 v10, v58;
	v4 =	vadd.f32 v56, v5  }
0x235: {  	[tilespmem:$0x19390] =	vst v22;
	v5 =	vadd.f32 v60, v6;
	v62 =	vadd.f32 v37, v9  }
0x236: {  	[tilespmem:$0x193B0] =	vst v0;
	v2 =	vmul.f32 v55, v2;
	v0 =	vadd.f32 v1, v61;
	v3 =	vadd.f32 v3, v4  }
0x237: {  	v63 =	vadd.f32 v34, v5;
	[tilespmem:$0x193C0] =	vst v62  }
0x238: {  	[tilespmem:$0x193E0] =	vst v0;
	v1 =	vadd.f32 v2, v3  }
0x239: {  	s1 =	sadd.s32 $0x1, s1;
	[tilespmem:$0x193D0] =	vst v63  }
0x23a: {  	p1 =	sne.s32 s1, s18;
	[tilespmem:$0x193F0] =	vst v1  }
0x23b: {  	[hbm4b:s17+s7] =	stream.linear.scatter [tilespmem:s2], [sflag:$0x3], $0x80, $0x200038;
	[tilespmem:$0x19E00] =	vst v63  }
.Ltmp4:
0x23c: {  	_ = 	snop;
	(pc) =	sbr.rel @p1 .LBB2_1-.Ltmp4, $4  }
0x23d: {  	_ =	swait.ge [sflag:s21], $0x80  }
0x23e: {  	[sflag:s21] =	ssyncset.done $0x0  }
0x23f: {  	[sflag:s21] =	ssyncadd.s32 $0xFFFFFF80  }
0x240: {  	v0 =	vimm.f32 $1.000000000e+00;
	_ =	strace $0x90000050  }
0x241: {  	_ =	sfence.sel $0x180000  }
0x242: {  	[bflag:$0x0] =	sbarrier.arrive $0xFFFF  }
0x243: {  	_ =	strace $0x90000047  }
0x244: {  	s0 =	stileid.u32;
	[bflag:$0x2] =	sbarrier.arrive $0xFFFF  }
0x245: {  	p0 =	sne.s32 s0, $0x0;
	s0 =	rddreg [dreg:$0x8]  }
0x246: {  	s0 =	sadd.s32 @!p0 $0x100000, s0  }
0x247: {  	[sflag:s0] =	ssyncadd.tile.s32 @!p0 $0x1;
	_ =	shalt  }
.Lfunc_end2:
_tile_overlayer_lowered:
.L_overlay_start_2:
0x248: {  	(tag) =	ssettag $0x2  }
0x249: {  	s0 =	rddreg [dreg:$0x0];
	s2 =	stileid.u32  }
0x24a: {  	s1 =	rddreg [dreg:$0x1];
	p0 =	sne.s32 s2, $0x0  }
0x24b: {  	s3 =	rddreg [dreg:$0x2];
	[bflag:$0x3] =	sbarrier.arrive $0xFFFF;
	s2 =	simm.s32 @!p0 $0x1C03  }
0x24c: {  	[timem:s3], [sflag:s2] =	dma.local @!p0 [hbm:s0], s1  }
0x24d: {  	s0 =	simm.s32 @!p0 $0x3  }
0x24e: {  	_ =	swait.ge @!p0 [sflag:s0], s1  }
0x24f: {  	s1 =	ssub.s32 @!p0 $0x0, s1;
	[sflag:s0] =	ssyncset.done @!p0 $0x0  }
0x250: {  	[sflag:s0] =	ssyncadd.s32 @!p0 s1  }
0x251: {  	[bflag:$0x3] =	sbarrier.arrive $0xFFFF  }
0x252: {  	_ =	shalt  }

</sc_bundles>
